<compile_context>
chip_gen: v7x
topology: tpu7x:2x2x1
jax: 0.10.2.dev20260603
libtpu: 0.0.44.dev20260713+nightly
codegen_flags: <defaults>
</compile_context>

<pallas_src>
import functools

import jax
import jax.numpy as jnp
from jax import lax
from jax.experimental import pallas as pl
from jax.experimental.pallas import tpu as pltpu
from jax.experimental.pallas import tpu_sc as plsc

NC = 2
NS = 16
NW = NC * NS
L = 16
SUB = 128
NSUB = 4
CH = SUB * NSUB


def _fast_rsqrt(s):
    i = plsc.bitcast(s, jnp.int32)
    i = jnp.int32(0x5F3759DF) - lax.shift_right_logical(i, 1)
    y = plsc.bitcast(i, jnp.float32)
    for _ in range(3):
        y = y * (1.5 - 0.5 * s * y * y)
    return y


def _make_sc_kernel(n, n_cam):
    assert n % (NW * CH) == 0
    mesh = plsc.VectorSubcoreMesh(core_axis_name="c", subcore_axis_name="s")

    buf_types = (
        [pltpu.VMEM((CH,), jnp.int32)]
        + [pltpu.VMEM((SUB,), jnp.int32)] * NSUB
        + [pltpu.VMEM((2 * CH,), jnp.float32)]
        + [pltpu.VMEM((SUB,), jnp.int32)] * 3
        + [pltpu.VMEM((SUB,), jnp.float32)] * 3
        + [pltpu.VMEM((2 * CH,), jnp.float32)]
        + [pltpu.SemaphoreType.DMA]
    )

    @functools.partial(
        pl.kernel,
        mesh=mesh,
        compiler_params=pltpu.CompilerParams(needs_layout_passes=False,
                                             use_tc_tiling_on_sc=False),
        out_type=jax.ShapeDtypeStruct((2 * n,), jnp.float32),
        scratch_types=[
            pltpu.VMEM((7 * n_cam,), jnp.float32),
            pltpu.VMEM((3 * n_cam,), jnp.float32),
        ] + buf_types,
    )
    def sc_kernel(obs_hbm, cidx_hbm, pidx_hbm, pose_hbm, intr_hbm, pts_hbm,
                  out_hbm, pose_v, intr_v, *bufs):
        cidx_v = bufs[0]
        pidx_v = bufs[1:1 + NSUB]
        obs_v = bufs[1 + NSUB]
        pix_v = bufs[2 + NSUB:5 + NSUB]
        pval_v = bufs[5 + NSUB:8 + NSUB]
        out_v = bufs[8 + NSUB]
        sem = bufs[9 + NSUB]

        wid = lax.axis_index("s") * NC + lax.axis_index("c")
        iota = lax.iota(jnp.int32, L)
        iota2 = iota * 2

        pltpu.sync_copy(pose_hbm, pose_v)
        pltpu.sync_copy(intr_hbm, intr_v)

        def _norm(i, carry):
            b7 = (iota + i * L) * 7
            qw = plsc.load_gather(pose_v, [b7])
            qx = plsc.load_gather(pose_v, [b7 + 1])
            qy = plsc.load_gather(pose_v, [b7 + 2])
            qz = plsc.load_gather(pose_v, [b7 + 3])
            s = qw * qw + qx * qx + qy * qy + qz * qz
            y = _fast_rsqrt(s)
            plsc.store_scatter(pose_v, [b7], qw * y)
            plsc.store_scatter(pose_v, [b7 + 1], qx * y)
            plsc.store_scatter(pose_v, [b7 + 2], qy * y)
            plsc.store_scatter(pose_v, [b7 + 3], qz * y)
            return carry

        lax.fori_loop(0, n_cam // L, _norm, 0)

        def process(base):
            pltpu.sync_copy(cidx_hbm.at[pl.ds(base, CH)], cidx_v)
            for k in range(NSUB):
                pltpu.sync_copy(pidx_hbm.at[pl.ds(base + k * SUB, SUB)],
                                pidx_v[k])
            pltpu.sync_copy(obs_hbm.at[pl.ds(2 * base, 2 * CH)], obs_v)

            for k in range(NSUB):
                def _pidx(g, carry2, k=k):
                    i3 = pidx_v[k][pl.ds(g * L, L)] * 3
                    pix_v[0][pl.ds(g * L, L)] = i3
                    pix_v[1][pl.ds(g * L, L)] = i3 + 1
                    pix_v[2][pl.ds(g * L, L)] = i3 + 2
                    return carry2

                lax.fori_loop(0, SUB // L, _pidx, 0)
                for c in range(3):
                    pltpu.async_copy(pts_hbm.at[pix_v[c]], pval_v[c],
                                     sem).wait()

                def _grp(g, carry2, k=k):
                    o = k * SUB + g * L
                    c16 = cidx_v[pl.ds(o, L)]
                    b7 = c16 * 7
                    b3 = c16 * 3
                    qw = plsc.load_gather(pose_v, [b7])
                    qx = plsc.load_gather(pose_v, [b7 + 1])
                    qy = plsc.load_gather(pose_v, [b7 + 2])
                    qz = plsc.load_gather(pose_v, [b7 + 3])
                    tx = plsc.load_gather(pose_v, [b7 + 4])
                    ty = plsc.load_gather(pose_v, [b7 + 5])
                    tz = plsc.load_gather(pose_v, [b7 + 6])
                    fo = plsc.load_gather(intr_v, [b3])
                    k1 = plsc.load_gather(intr_v, [b3 + 1])
                    k2 = plsc.load_gather(intr_v, [b3 + 2])
                    px = pval_v[0][pl.ds(g * L, L)]
                    py = pval_v[1][pl.ds(g * L, L)]
                    pz = pval_v[2][pl.ds(g * L, L)]
                    e2 = iota2 + 2 * o
                    ox = plsc.load_gather(obs_v, [e2])
                    oy = plsc.load_gather(obs_v, [e2 + 1])

                    ux = 2.0 * (qy * pz - qz * py)
                    uy = 2.0 * (qz * px - qx * pz)
                    uz = 2.0 * (qx * py - qy * px)
                    cx = px + qw * ux + (qy * uz - qz * uy) + tx
                    cy = py + qw * uy + (qz * ux - qx * uz) + ty
                    cz = pz + qw * uz + (qx * uy - qy * ux) + tz
                    nx = -cx / cz
                    ny = -cy / cz
                    r2 = nx * nx + ny * ny
                    fd = fo * (1.0 + r2 * (k1 + k2 * r2))
                    plsc.store_scatter(out_v, [e2], fd * nx - ox)
                    plsc.store_scatter(out_v, [e2 + 1], fd * ny - oy)
                    return carry2

                lax.fori_loop(0, SUB // L, _grp, 0)

            pltpu.sync_copy(out_v, out_hbm.at[pl.ds(2 * base, 2 * CH)])

        nwo = n // NW

        def chunk_body(j, carry):
            process(wid * nwo + j * CH)
            return carry

        lax.fori_loop(0, nwo // CH, chunk_body, 0)

    return sc_kernel


def kernel(observes, cidx, pidx, pose, intrinsics, points):
    n = observes.shape[0]
    n_cam = pose.shape[0]
    block = NW * CH
    npad = ((n + block - 1) // block) * block
    pad = npad - n
    cidx_p = jnp.pad(cidx.astype(jnp.int32), (0, pad))
    pidx_p = jnp.pad(pidx.astype(jnp.int32), (0, pad))
    obs_p = jnp.pad(observes, ((0, pad), (0, 0))).reshape(-1)
    out = _make_sc_kernel(npad, n_cam)(
        obs_p, cidx_p, pidx_p, pose.reshape(-1), intrinsics.reshape(-1),
        points.reshape(-1))
    return out.reshape(npad, 2)[:n]

# --- scband reference (transcript-rebuilt; emitter-appended) ---
"""Pipeline reference for scband-residual-29351806500963 (READ-ONLY COPY).

The authoritative reference and input builder live on the scoring server;
editing this copy changes nothing except your own understanding.
"""

import jax, jax.numpy as jnp
import numpy as np

N_CAM = 2000
N_PTS = 200000
N_OBS = 1000000


def quat_rotate(q, v):
    # q: [..., 4] as (w, x, y, z), assumed normalized; v: [..., 3]
    w = q[..., :1]
    xyz = q[..., 1:]
    t = 2.0 * jnp.cross(xyz, v)
    return v + w * t + jnp.cross(xyz, t)


def setup_inputs(seed: int = 0) -> dict:
    key = jax.random.key(seed)
    ks = jax.random.split(key, 9)
    observes = jax.random.normal(ks[0], (N_OBS, 2), dtype=jnp.float32)
    cidx = jax.random.randint(ks[1], (N_OBS,), 0, N_CAM)
    pidx = jax.random.randint(ks[2], (N_OBS,), 0, N_PTS)
    # camera pose parameter: unit quaternion (w,x,y,z) + translation (tx,ty,tz)
    q = jax.random.normal(ks[3], (N_CAM, 4), dtype=jnp.float32)
    q = q / jnp.linalg.norm(q, axis=-1, keepdims=True)
    t = 0.1 * jax.random.normal(ks[4], (N_CAM, 3), dtype=jnp.float32)
    t = t.at[:, 2].add(5.0)  # keep points in front of camera (z ~ 5)
    pose = jnp.concatenate([q, t], axis=-1)
    # intrinsics parameter: (focal, k1, k2)
    focal = 500.0 + 10.0 * jax.random.normal(ks[5], (N_CAM, 1), dtype=jnp.float32)
    k1 = 0.01 * jax.random.normal(ks[6], (N_CAM, 1), dtype=jnp.float32)
    k2 = 0.001 * jax.random.normal(ks[7], (N_CAM, 1), dtype=jnp.float32)
    intrinsics = jnp.concatenate([focal, k1, k2], axis=-1)
    points = jax.random.normal(ks[8], (N_PTS, 3), dtype=jnp.float32)
    return {"observes": observes, "cidx": cidx, "pidx": pidx,
            "pose": pose, "intrinsics": intrinsics, "points": points}


def reference(observes, cidx, pidx, pose, intrinsics, points):
    # gather per-observation parameters
    pose_g = pose[cidx]                 # [N_OBS, 7]
    q = pose_g[:, :4]
    q = q / jnp.linalg.norm(q, axis=-1, keepdims=True)
    t = pose_g[:, 4:7]
    p = points[pidx]                    # [N_OBS, 3]
    # camera_pose.Act(points): rigid transform
    cam_pts = quat_rotate(q, p) + t
    normalized = -cam_pts[:, :2] / cam_pts[:, 2:3]
    radius_sq = jnp.sum(normalized * normalized, axis=-1, keepdims=True)
    intr = intrinsics[cidx]             # [N_OBS, 3]
    focal = intr[:, :1]
    k1 = intr[:, 1:2]
    k2 = intr[:, 2:3]
    distortion = 1.0 + k1 * radius_sq + k2 * radius_sq * radius_sq
    return focal * distortion * normalized - observes

if __name__ == "__main__":
    import jax
    _d = setup_inputs()
    print(jax.jit(kernel)(*tuple(_d.values())))

</pallas_src>

<mosaic_0001>
#map = affine_map<(d0, d1) -> (0)>
module attributes {stable_mosaic.version = 14 : i64} {
  func.func @sc_kernel(%arg0: i32, %arg1: i32, %arg2: memref<2031616xf32, #tpu.memory_space<hbm>>, %arg3: memref<1015808xi32, #tpu.memory_space<hbm>>, %arg4: memref<1015808xi32, #tpu.memory_space<hbm>>, %arg5: memref<14000xf32, #tpu.memory_space<hbm>>, %arg6: memref<6000xf32, #tpu.memory_space<hbm>>, %arg7: memref<600000xf32, #tpu.memory_space<hbm>>, %arg8: memref<2031616xf32, #tpu.memory_space<hbm>>, %arg9: memref<14000xf32, #tpu.memory_space<vmem>>, %arg10: memref<6000xf32, #tpu.memory_space<vmem>>, %arg11: memref<512xi32, #tpu.memory_space<vmem>>, %arg12: memref<128xi32, #tpu.memory_space<vmem>>, %arg13: memref<128xi32, #tpu.memory_space<vmem>>, %arg14: memref<128xi32, #tpu.memory_space<vmem>>, %arg15: memref<128xi32, #tpu.memory_space<vmem>>, %arg16: memref<1024xf32, #tpu.memory_space<vmem>>, %arg17: memref<128xi32, #tpu.memory_space<vmem>>, %arg18: memref<128xi32, #tpu.memory_space<vmem>>, %arg19: memref<128xi32, #tpu.memory_space<vmem>>, %arg20: memref<128xf32, #tpu.memory_space<vmem>>, %arg21: memref<128xf32, #tpu.memory_space<vmem>>, %arg22: memref<128xf32, #tpu.memory_space<vmem>>, %arg23: memref<1024xf32, #tpu.memory_space<vmem>>, %arg24: memref<!tpu.dma_semaphore, #tpu.memory_space<semaphore_mem>>) attributes {dimension_semantics = [#tpu.dimension_semantics<core_parallel>, #tpu.dimension_semantics<subcore_parallel>], iteration_bounds = array<i64: 2, 16>, scalar_prefetch = 0 : i64, scratch_operands = 16 : i64, tpu.core_type = #tpu.core_type<sc_vector_subcore>, window_params = [{transform_indices = #map}, {transform_indices = #map}, {transform_indices = #map}, {transform_indices = #map}, {transform_indices = #map}, {transform_indices = #map}, {transform_indices = #map}]} {
    %mul3A = arith.constant 2 : i32
    %mul3A_0 = arith.muli %arg1, %mul3A : i32
    %add3A = arith.addi %mul3A_0, %arg0 : i32
    %iota3A = tpu.iota {dimensions = array<i32: 0>} : vector<16xi32>
    %mul3A_1 = arith.constant 2 : i32
    %mul3A_2 = vector.broadcast %mul3A_1 : i32 to vector<16xi32>
    %mul3A_3 = arith.muli %iota3A, %mul3A_2 : vector<16xi32>
    "tpu.region"() ({
      %run_scoped3A = tpu.sem_alloc : memref<!tpu.dma_semaphore, #tpu.memory_space<semaphore_mem>>
      tpu.enqueue_dma source(%arg5 : memref<14000xf32, #tpu.memory_space<hbm>>) target(%arg9 : memref<14000xf32, #tpu.memory_space<vmem>>) target_semaphore(%run_scoped3A : memref<!tpu.dma_semaphore, #tpu.memory_space<semaphore_mem>>)
      tpu.wait_dma2 semaphore(%run_scoped3A : memref<!tpu.dma_semaphore, #tpu.memory_space<semaphore_mem>>) src(%arg5 : memref<14000xf32, #tpu.memory_space<hbm>>) dst(%arg9 : memref<14000xf32, #tpu.memory_space<vmem>>)
      tpu.yield
    }) : () -> ()
    "tpu.region"() ({
      %run_scoped3A = tpu.sem_alloc : memref<!tpu.dma_semaphore, #tpu.memory_space<semaphore_mem>>
      tpu.enqueue_dma source(%arg6 : memref<6000xf32, #tpu.memory_space<hbm>>) target(%arg10 : memref<6000xf32, #tpu.memory_space<vmem>>) target_semaphore(%run_scoped3A : memref<!tpu.dma_semaphore, #tpu.memory_space<semaphore_mem>>)
      tpu.wait_dma2 semaphore(%run_scoped3A : memref<!tpu.dma_semaphore, #tpu.memory_space<semaphore_mem>>) src(%arg6 : memref<6000xf32, #tpu.memory_space<hbm>>) dst(%arg10 : memref<6000xf32, #tpu.memory_space<vmem>>)
      tpu.yield
    }) : () -> ()
    %scan3A = arith.constant 0 : i32
    %scan3A_4 = arith.constant 0 : i32
    %scan3A_5 = arith.constant 125 : i32
    %scan3A_6 = arith.addi %scan3A_4, %scan3A_5 : i32
    %scan3A_7 = arith.constant 1 : i32
    scf.for %scan3A_15 = %scan3A_4 to %scan3A_6 step %scan3A_7  : i32 {
      %mul3A_16 = arith.constant 16 : i32
      %mul3A_17 = arith.muli %scan3A_15, %mul3A_16 : i32
      %add3A_18 = vector.broadcast %mul3A_17 : i32 to vector<16xi32>
      %add3A_19 = arith.addi %iota3A, %add3A_18 : vector<16xi32>
      %mul3A_20 = arith.constant 7 : i32
      %mul3A_21 = vector.broadcast %mul3A_20 : i32 to vector<16xi32>
      %mul3A_22 = arith.muli %add3A_19, %mul3A_21 : vector<16xi32>
      %gather3A = tpu.vector_load_idx %arg9[%mul3A_22] : memref<14000xf32, #tpu.memory_space<vmem>>[vector<16xi32>], vector<16xf32>,
      %add3A_23 = arith.constant 1 : i32
      %add3A_24 = vector.broadcast %add3A_23 : i32 to vector<16xi32>
      %add3A_25 = arith.addi %mul3A_22, %add3A_24 : vector<16xi32>
      %gather3A_26 = tpu.vector_load_idx %arg9[%add3A_25] : memref<14000xf32, #tpu.memory_space<vmem>>[vector<16xi32>], vector<16xf32>,
      %add3A_27 = arith.constant 2 : i32
      %add3A_28 = vector.broadcast %add3A_27 : i32 to vector<16xi32>
      %add3A_29 = arith.addi %mul3A_22, %add3A_28 : vector<16xi32>
      %gather3A_30 = tpu.vector_load_idx %arg9[%add3A_29] : memref<14000xf32, #tpu.memory_space<vmem>>[vector<16xi32>], vector<16xf32>,
      %add3A_31 = arith.constant 3 : i32
      %add3A_32 = vector.broadcast %add3A_31 : i32 to vector<16xi32>
      %add3A_33 = arith.addi %mul3A_22, %add3A_32 : vector<16xi32>
      %gather3A_34 = tpu.vector_load_idx %arg9[%add3A_33] : memref<14000xf32, #tpu.memory_space<vmem>>[vector<16xi32>], vector<16xf32>,
      %mul3A_35 = arith.mulf %gather3A, %gather3A : vector<16xf32>
      %mul3A_36 = arith.mulf %gather3A_26, %gather3A_26 : vector<16xf32>
      %add3A_37 = arith.addf %mul3A_35, %mul3A_36 : vector<16xf32>
      %mul3A_38 = arith.mulf %gather3A_30, %gather3A_30 : vector<16xf32>
      %add3A_39 = arith.addf %add3A_37, %mul3A_38 : vector<16xf32>
      %mul3A_40 = arith.mulf %gather3A_34, %gather3A_34 : vector<16xf32>
      %add3A_41 = arith.addf %add3A_39, %mul3A_40 : vector<16xf32>
      %bitcast3A = vector.bitcast %add3A_41 : vector<16xf32> to vector<16xi32>
      %shift_right_logical3A = arith.constant 1 : i32
      %shift_right_logical3A_42 = vector.broadcast %shift_right_logical3A : i32 to vector<16xi32>
      %shift_right_logical3A_43 = arith.shrui %bitcast3A, %shift_right_logical3A_42 : vector<16xi32>
      %sub3A = arith.constant 1597463007 : i32
      %sub3A_44 = vector.broadcast %sub3A : i32 to vector<16xi32>
      %sub3A_45 = arith.subi %sub3A_44, %shift_right_logical3A_43 : vector<16xi32>
      %bitcast3A_46 = vector.bitcast %sub3A_45 : vector<16xi32> to vector<16xf32>
      %mul3A_47 = arith.constant 5.000000e-01 : f32
      %mul3A_48 = vector.broadcast %mul3A_47 : f32 to vector<16xf32>
      %mul3A_49 = arith.mulf %mul3A_48, %add3A_41 : vector<16xf32>
      %mul3A_50 = arith.mulf %mul3A_49, %bitcast3A_46 : vector<16xf32>
      %mul3A_51 = arith.mulf %mul3A_50, %bitcast3A_46 : vector<16xf32>
      %sub3A_52 = arith.constant 1.500000e+00 : f32
      %sub3A_53 = vector.broadcast %sub3A_52 : f32 to vector<16xf32>
      %sub3A_54 = arith.subf %sub3A_53, %mul3A_51 : vector<16xf32>
      %mul3A_55 = arith.mulf %bitcast3A_46, %sub3A_54 : vector<16xf32>
      %mul3A_56 = arith.constant 5.000000e-01 : f32
      %mul3A_57 = vector.broadcast %mul3A_56 : f32 to vector<16xf32>
      %mul3A_58 = arith.mulf %mul3A_57, %add3A_41 : vector<16xf32>
      %mul3A_59 = arith.mulf %mul3A_58, %mul3A_55 : vector<16xf32>
      %mul3A_60 = arith.mulf %mul3A_59, %mul3A_55 : vector<16xf32>
      %sub3A_61 = arith.constant 1.500000e+00 : f32
      %sub3A_62 = vector.broadcast %sub3A_61 : f32 to vector<16xf32>
      %sub3A_63 = arith.subf %sub3A_62, %mul3A_60 : vector<16xf32>
      %mul3A_64 = arith.mulf %mul3A_55, %sub3A_63 : vector<16xf32>
      %mul3A_65 = arith.constant 5.000000e-01 : f32
      %mul3A_66 = vector.broadcast %mul3A_65 : f32 to vector<16xf32>
      %mul3A_67 = arith.mulf %mul3A_66, %add3A_41 : vector<16xf32>
      %mul3A_68 = arith.mulf %mul3A_67, %mul3A_64 : vector<16xf32>
      %mul3A_69 = arith.mulf %mul3A_68, %mul3A_64 : vector<16xf32>
      %sub3A_70 = arith.constant 1.500000e+00 : f32
      %sub3A_71 = vector.broadcast %sub3A_70 : f32 to vector<16xf32>
      %sub3A_72 = arith.subf %sub3A_71, %mul3A_69 : vector<16xf32>
      %mul3A_73 = arith.mulf %mul3A_64, %sub3A_72 : vector<16xf32>
      %mul3A_74 = arith.mulf %gather3A, %mul3A_73 : vector<16xf32>
      tpu.vector_store_idx %arg9[%mul3A_22], %mul3A_74 : memref<14000xf32, #tpu.memory_space<vmem>>[vector<16xi32>], vector<16xf32>,
      %add3A_75 = arith.constant 1 : i32
      %add3A_76 = vector.broadcast %add3A_75 : i32 to vector<16xi32>
      %add3A_77 = arith.addi %mul3A_22, %add3A_76 : vector<16xi32>
      %mul3A_78 = arith.mulf %gather3A_26, %mul3A_73 : vector<16xf32>
      tpu.vector_store_idx %arg9[%add3A_77], %mul3A_78 : memref<14000xf32, #tpu.memory_space<vmem>>[vector<16xi32>], vector<16xf32>,
      %add3A_79 = arith.constant 2 : i32
      %add3A_80 = vector.broadcast %add3A_79 : i32 to vector<16xi32>
      %add3A_81 = arith.addi %mul3A_22, %add3A_80 : vector<16xi32>
      %mul3A_82 = arith.mulf %gather3A_30, %mul3A_73 : vector<16xf32>
      tpu.vector_store_idx %arg9[%add3A_81], %mul3A_82 : memref<14000xf32, #tpu.memory_space<vmem>>[vector<16xi32>], vector<16xf32>,
      %add3A_83 = arith.constant 3 : i32
      %add3A_84 = vector.broadcast %add3A_83 : i32 to vector<16xi32>
      %add3A_85 = arith.addi %mul3A_22, %add3A_84 : vector<16xi32>
      %mul3A_86 = arith.mulf %gather3A_34, %mul3A_73 : vector<16xf32>
      tpu.vector_store_idx %arg9[%add3A_85], %mul3A_86 : memref<14000xf32, #tpu.memory_space<vmem>>[vector<16xi32>], vector<16xf32>,
    }
    %scan3A_8 = arith.constant 125 : i32
    %scan3A_9 = arith.constant 0 : i32
    %scan3A_10 = arith.constant 0 : i32
    %scan3A_11 = arith.constant 62 : i32
    %scan3A_12 = arith.addi %scan3A_10, %scan3A_11 : i32
    %scan3A_13 = arith.constant 1 : i32
    scf.for %scan3A_15 = %scan3A_10 to %scan3A_12 step %scan3A_13  : i32 {
      %mul3A_16 = arith.constant 31744 : i32
      %mul3A_17 = arith.muli %add3A, %mul3A_16 : i32
      %mul3A_18 = arith.constant 512 : i32
      %mul3A_19 = arith.muli %scan3A_15, %mul3A_18 : i32
      %add3A_20 = arith.addi %mul3A_17, %mul3A_19 : i32
      "tpu.region"() ({
        %run_scoped3A = tpu.sem_alloc : memref<!tpu.dma_semaphore, #tpu.memory_space<semaphore_mem>>
        %dma_start3A_127 = tpu.memref_slice %arg3[%add3A_20] : memref<1015808xi32, #tpu.memory_space<hbm>> -> memref<512xi32, #tpu.memory_space<hbm>>
        %dma_start3A_128 = tpu.memref_slice %arg3[%add3A_20] : memref<1015808xi32, #tpu.memory_space<hbm>> -> memref<512xi32, #tpu.memory_space<hbm>>
        tpu.enqueue_dma source(%dma_start3A_128 : memref<512xi32, #tpu.memory_space<hbm>>) target(%arg11 : memref<512xi32, #tpu.memory_space<vmem>>) target_semaphore(%run_scoped3A : memref<!tpu.dma_semaphore, #tpu.memory_space<semaphore_mem>>)
        %dma_wait3A_129 = tpu.memref_slice %arg3[%add3A_20] : memref<1015808xi32, #tpu.memory_space<hbm>> -> memref<512xi32, #tpu.memory_space<hbm>>
        %dma_wait3A_130 = tpu.memref_slice %arg3[%add3A_20] : memref<1015808xi32, #tpu.memory_space<hbm>> -> memref<512xi32, #tpu.memory_space<hbm>>
        tpu.wait_dma2 semaphore(%run_scoped3A : memref<!tpu.dma_semaphore, #tpu.memory_space<semaphore_mem>>) src(%dma_wait3A_130 : memref<512xi32, #tpu.memory_space<hbm>>) dst(%arg11 : memref<512xi32, #tpu.memory_space<vmem>>)
        tpu.yield
      }) : () -> ()
      %add3A_21 = arith.constant 0 : i32
      %add3A_22 = arith.addi %add3A_20, %add3A_21 : i32
      "tpu.region"() ({
        %run_scoped3A = tpu.sem_alloc : memref<!tpu.dma_semaphore, #tpu.memory_space<semaphore_mem>>
        %dma_start3A_127 = tpu.memref_slice %arg4[%add3A_22] : memref<1015808xi32, #tpu.memory_space<hbm>> -> memref<128xi32, #tpu.memory_space<hbm>>
        %dma_start3A_128 = tpu.memref_slice %arg4[%add3A_22] : memref<1015808xi32, #tpu.memory_space<hbm>> -> memref<128xi32, #tpu.memory_space<hbm>>
        tpu.enqueue_dma source(%dma_start3A_128 : memref<128xi32, #tpu.memory_space<hbm>>) target(%arg12 : memref<128xi32, #tpu.memory_space<vmem>>) target_semaphore(%run_scoped3A : memref<!tpu.dma_semaphore, #tpu.memory_space<semaphore_mem>>)
        %dma_wait3A_129 = tpu.memref_slice %arg4[%add3A_22] : memref<1015808xi32, #tpu.memory_space<hbm>> -> memref<128xi32, #tpu.memory_space<hbm>>
        %dma_wait3A_130 = tpu.memref_slice %arg4[%add3A_22] : memref<1015808xi32, #tpu.memory_space<hbm>> -> memref<128xi32, #tpu.memory_space<hbm>>
        tpu.wait_dma2 semaphore(%run_scoped3A : memref<!tpu.dma_semaphore, #tpu.memory_space<semaphore_mem>>) src(%dma_wait3A_130 : memref<128xi32, #tpu.memory_space<hbm>>) dst(%arg12 : memref<128xi32, #tpu.memory_space<vmem>>)
        tpu.yield
      }) : () -> ()
      %add3A_23 = arith.constant 128 : i32
      %add3A_24 = arith.addi %add3A_20, %add3A_23 : i32
      "tpu.region"() ({
        %run_scoped3A = tpu.sem_alloc : memref<!tpu.dma_semaphore, #tpu.memory_space<semaphore_mem>>
        %dma_start3A_127 = tpu.memref_slice %arg4[%add3A_24] : memref<1015808xi32, #tpu.memory_space<hbm>> -> memref<128xi32, #tpu.memory_space<hbm>>
        %dma_start3A_128 = tpu.memref_slice %arg4[%add3A_24] : memref<1015808xi32, #tpu.memory_space<hbm>> -> memref<128xi32, #tpu.memory_space<hbm>>
        tpu.enqueue_dma source(%dma_start3A_128 : memref<128xi32, #tpu.memory_space<hbm>>) target(%arg13 : memref<128xi32, #tpu.memory_space<vmem>>) target_semaphore(%run_scoped3A : memref<!tpu.dma_semaphore, #tpu.memory_space<semaphore_mem>>)
        %dma_wait3A_129 = tpu.memref_slice %arg4[%add3A_24] : memref<1015808xi32, #tpu.memory_space<hbm>> -> memref<128xi32, #tpu.memory_space<hbm>>
        %dma_wait3A_130 = tpu.memref_slice %arg4[%add3A_24] : memref<1015808xi32, #tpu.memory_space<hbm>> -> memref<128xi32, #tpu.memory_space<hbm>>
        tpu.wait_dma2 semaphore(%run_scoped3A : memref<!tpu.dma_semaphore, #tpu.memory_space<semaphore_mem>>) src(%dma_wait3A_130 : memref<128xi32, #tpu.memory_space<hbm>>) dst(%arg13 : memref<128xi32, #tpu.memory_space<vmem>>)
        tpu.yield
      }) : () -> ()
      %add3A_25 = arith.constant 256 : i32
      %add3A_26 = arith.addi %add3A_20, %add3A_25 : i32
      "tpu.region"() ({
        %run_scoped3A = tpu.sem_alloc : memref<!tpu.dma_semaphore, #tpu.memory_space<semaphore_mem>>
        %dma_start3A_127 = tpu.memref_slice %arg4[%add3A_26] : memref<1015808xi32, #tpu.memory_space<hbm>> -> memref<128xi32, #tpu.memory_space<hbm>>
        %dma_start3A_128 = tpu.memref_slice %arg4[%add3A_26] : memref<1015808xi32, #tpu.memory_space<hbm>> -> memref<128xi32, #tpu.memory_space<hbm>>
        tpu.enqueue_dma source(%dma_start3A_128 : memref<128xi32, #tpu.memory_space<hbm>>) target(%arg14 : memref<128xi32, #tpu.memory_space<vmem>>) target_semaphore(%run_scoped3A : memref<!tpu.dma_semaphore, #tpu.memory_space<semaphore_mem>>)
        %dma_wait3A_129 = tpu.memref_slice %arg4[%add3A_26] : memref<1015808xi32, #tpu.memory_space<hbm>> -> memref<128xi32, #tpu.memory_space<hbm>>
        %dma_wait3A_130 = tpu.memref_slice %arg4[%add3A_26] : memref<1015808xi32, #tpu.memory_space<hbm>> -> memref<128xi32, #tpu.memory_space<hbm>>
        tpu.wait_dma2 semaphore(%run_scoped3A : memref<!tpu.dma_semaphore, #tpu.memory_space<semaphore_mem>>) src(%dma_wait3A_130 : memref<128xi32, #tpu.memory_space<hbm>>) dst(%arg14 : memref<128xi32, #tpu.memory_space<vmem>>)
        tpu.yield
      }) : () -> ()
      %add3A_27 = arith.constant 384 : i32
      %add3A_28 = arith.addi %add3A_20, %add3A_27 : i32
      "tpu.region"() ({
        %run_scoped3A = tpu.sem_alloc : memref<!tpu.dma_semaphore, #tpu.memory_space<semaphore_mem>>
        %dma_start3A_127 = tpu.memref_slice %arg4[%add3A_28] : memref<1015808xi32, #tpu.memory_space<hbm>> -> memref<128xi32, #tpu.memory_space<hbm>>
        %dma_start3A_128 = tpu.memref_slice %arg4[%add3A_28] : memref<1015808xi32, #tpu.memory_space<hbm>> -> memref<128xi32, #tpu.memory_space<hbm>>
        tpu.enqueue_dma source(%dma_start3A_128 : memref<128xi32, #tpu.memory_space<hbm>>) target(%arg15 : memref<128xi32, #tpu.memory_space<vmem>>) target_semaphore(%run_scoped3A : memref<!tpu.dma_semaphore, #tpu.memory_space<semaphore_mem>>)
        %dma_wait3A_129 = tpu.memref_slice %arg4[%add3A_28] : memref<1015808xi32, #tpu.memory_space<hbm>> -> memref<128xi32, #tpu.memory_space<hbm>>
        %dma_wait3A_130 = tpu.memref_slice %arg4[%add3A_28] : memref<1015808xi32, #tpu.memory_space<hbm>> -> memref<128xi32, #tpu.memory_space<hbm>>
        tpu.wait_dma2 semaphore(%run_scoped3A : memref<!tpu.dma_semaphore, #tpu.memory_space<semaphore_mem>>) src(%dma_wait3A_130 : memref<128xi32, #tpu.memory_space<hbm>>) dst(%arg15 : memref<128xi32, #tpu.memory_space<vmem>>)
        tpu.yield
      }) : () -> ()
      %mul3A_29 = arith.constant 2 : i32
      %mul3A_30 = arith.muli %mul3A_29, %add3A_20 : i32
      "tpu.region"() ({
        %run_scoped3A = tpu.sem_alloc : memref<!tpu.dma_semaphore, #tpu.memory_space<semaphore_mem>>
        %dma_start3A_127 = tpu.memref_slice %arg2[%mul3A_30] : memref<2031616xf32, #tpu.memory_space<hbm>> -> memref<1024xf32, #tpu.memory_space<hbm>>
        %dma_start3A_128 = tpu.memref_slice %arg2[%mul3A_30] : memref<2031616xf32, #tpu.memory_space<hbm>> -> memref<1024xf32, #tpu.memory_space<hbm>>
        tpu.enqueue_dma source(%dma_start3A_128 : memref<1024xf32, #tpu.memory_space<hbm>>) target(%arg16 : memref<1024xf32, #tpu.memory_space<vmem>>) target_semaphore(%run_scoped3A : memref<!tpu.dma_semaphore, #tpu.memory_space<semaphore_mem>>)
        %dma_wait3A_129 = tpu.memref_slice %arg2[%mul3A_30] : memref<2031616xf32, #tpu.memory_space<hbm>> -> memref<1024xf32, #tpu.memory_space<hbm>>
        %dma_wait3A_130 = tpu.memref_slice %arg2[%mul3A_30] : memref<2031616xf32, #tpu.memory_space<hbm>> -> memref<1024xf32, #tpu.memory_space<hbm>>
        tpu.wait_dma2 semaphore(%run_scoped3A : memref<!tpu.dma_semaphore, #tpu.memory_space<semaphore_mem>>) src(%dma_wait3A_130 : memref<1024xf32, #tpu.memory_space<hbm>>) dst(%arg16 : memref<1024xf32, #tpu.memory_space<vmem>>)
        tpu.yield
      }) : () -> ()
      %scan3A_31 = arith.constant 0 : i32
      %scan3A_32 = arith.constant 0 : i32
      %scan3A_33 = arith.constant 8 : i32
      %scan3A_34 = arith.addi %scan3A_32, %scan3A_33 : i32
      %scan3A_35 = arith.constant 1 : i32
      scf.for %scan3A_127 = %scan3A_32 to %scan3A_34 step %scan3A_35  : i32 {
        %mul3A_128 = arith.constant 16 : i32
        %mul3A_129 = arith.muli %scan3A_127, %mul3A_128 : i32
        %get3A = arith.index_cast %mul3A_129 : i32 to index
        %get3A_130 = tpu.vector_load %arg12[%get3A] {strides = array<i32>} : memref<128xi32, #tpu.memory_space<vmem>>, vector<16xi32>,
        %mul3A_131 = arith.constant 3 : i32
        %mul3A_132 = vector.broadcast %mul3A_131 : i32 to vector<16xi32>
        %mul3A_133 = arith.muli %get3A_130, %mul3A_132 : vector<16xi32>
        %mul3A_134 = arith.constant 16 : i32
        %mul3A_135 = arith.muli %scan3A_127, %mul3A_134 : i32
        %swap3A = arith.index_cast %mul3A_135 : i32 to index
        %swap3A_136 = tpu.vector_load %arg17[%swap3A] {strides = array<i32>} : memref<128xi32, #tpu.memory_space<vmem>>, vector<16xi32>,
        tpu.vector_store %arg17[%swap3A], %mul3A_133 {strides = array<i32>} : memref<128xi32, #tpu.memory_space<vmem>>, vector<16xi32>,
        %add3A_137 = arith.constant 1 : i32
        %add3A_138 = vector.broadcast %add3A_137 : i32 to vector<16xi32>
        %add3A_139 = arith.addi %mul3A_133, %add3A_138 : vector<16xi32>
        %mul3A_140 = arith.constant 16 : i32
        %mul3A_141 = arith.muli %scan3A_127, %mul3A_140 : i32
        %swap3A_142 = arith.index_cast %mul3A_141 : i32 to index
        %swap3A_143 = tpu.vector_load %arg18[%swap3A_142] {strides = array<i32>} : memref<128xi32, #tpu.memory_space<vmem>>, vector<16xi32>,
        tpu.vector_store %arg18[%swap3A_142], %add3A_139 {strides = array<i32>} : memref<128xi32, #tpu.memory_space<vmem>>, vector<16xi32>,
        %add3A_144 = arith.constant 2 : i32
        %add3A_145 = vector.broadcast %add3A_144 : i32 to vector<16xi32>
        %add3A_146 = arith.addi %mul3A_133, %add3A_145 : vector<16xi32>
        %mul3A_147 = arith.constant 16 : i32
        %mul3A_148 = arith.muli %scan3A_127, %mul3A_147 : i32
        %swap3A_149 = arith.index_cast %mul3A_148 : i32 to index
        %swap3A_150 = tpu.vector_load %arg19[%swap3A_149] {strides = array<i32>} : memref<128xi32, #tpu.memory_space<vmem>>, vector<16xi32>,
        tpu.vector_store %arg19[%swap3A_149], %add3A_146 {strides = array<i32>} : memref<128xi32, #tpu.memory_space<vmem>>, vector<16xi32>,
      }
      %scan3A_36 = arith.constant 8 : i32
      %dma_start3A = arith.constant 0 : i32
      %dma_start3A_37 = tpu.memref_slice %arg7[%dma_start3A] : memref<600000xf32, #tpu.memory_space<hbm>> -> memref<600000xf32, #tpu.memory_space<hbm>>
      tpu.enqueue_indirect_dma source(%dma_start3A_37 : memref<600000xf32, #tpu.memory_space<hbm>>) target(%arg20 : memref<128xf32, #tpu.memory_space<vmem>>) offsets(%arg17 : memref<128xi32, #tpu.memory_space<vmem>>) semaphore(%arg24 : memref<!tpu.dma_semaphore, #tpu.memory_space<semaphore_mem>>)
      %dma_wait3A = arith.constant 0 : i32
      %dma_wait3A_38 = tpu.memref_slice %arg7[%dma_wait3A] : memref<600000xf32, #tpu.memory_space<hbm>> -> memref<600000xf32, #tpu.memory_space<hbm>>
      tpu.wait_indirect_dma semaphore(%arg24 : memref<!tpu.dma_semaphore, #tpu.memory_space<semaphore_mem>>) src(%dma_wait3A_38 : memref<600000xf32, #tpu.memory_space<hbm>>) dst(%arg20 : memref<128xf32, #tpu.memory_space<vmem>>)
      %dma_start3A_39 = arith.constant 0 : i32
      %dma_start3A_40 = tpu.memref_slice %arg7[%dma_start3A_39] : memref<600000xf32, #tpu.memory_space<hbm>> -> memref<600000xf32, #tpu.memory_space<hbm>>
      tpu.enqueue_indirect_dma source(%dma_start3A_40 : memref<600000xf32, #tpu.memory_space<hbm>>) target(%arg21 : memref<128xf32, #tpu.memory_space<vmem>>) offsets(%arg18 : memref<128xi32, #tpu.memory_space<vmem>>) semaphore(%arg24 : memref<!tpu.dma_semaphore, #tpu.memory_space<semaphore_mem>>)
      %dma_wait3A_41 = arith.constant 0 : i32
      %dma_wait3A_42 = tpu.memref_slice %arg7[%dma_wait3A_41] : memref<600000xf32, #tpu.memory_space<hbm>> -> memref<600000xf32, #tpu.memory_space<hbm>>
      tpu.wait_indirect_dma semaphore(%arg24 : memref<!tpu.dma_semaphore, #tpu.memory_space<semaphore_mem>>) src(%dma_wait3A_42 : memref<600000xf32, #tpu.memory_space<hbm>>) dst(%arg21 : memref<128xf32, #tpu.memory_space<vmem>>)
      %dma_start3A_43 = arith.constant 0 : i32
      %dma_start3A_44 = tpu.memref_slice %arg7[%dma_start3A_43] : memref<600000xf32, #tpu.memory_space<hbm>> -> memref<600000xf32, #tpu.memory_space<hbm>>
      tpu.enqueue_indirect_dma source(%dma_start3A_44 : memref<600000xf32, #tpu.memory_space<hbm>>) target(%arg22 : memref<128xf32, #tpu.memory_space<vmem>>) offsets(%arg19 : memref<128xi32, #tpu.memory_space<vmem>>) semaphore(%arg24 : memref<!tpu.dma_semaphore, #tpu.memory_space<semaphore_mem>>)
      %dma_wait3A_45 = arith.constant 0 : i32
      %dma_wait3A_46 = tpu.memref_slice %arg7[%dma_wait3A_45] : memref<600000xf32, #tpu.memory_space<hbm>> -> memref<600000xf32, #tpu.memory_space<hbm>>
      tpu.wait_indirect_dma semaphore(%arg24 : memref<!tpu.dma_semaphore, #tpu.memory_space<semaphore_mem>>) src(%dma_wait3A_46 : memref<600000xf32, #tpu.memory_space<hbm>>) dst(%arg22 : memref<128xf32, #tpu.memory_space<vmem>>)
      %scan3A_47 = arith.constant 0 : i32
      %scan3A_48 = arith.constant 0 : i32
      %scan3A_49 = arith.constant 8 : i32
      %scan3A_50 = arith.addi %scan3A_48, %scan3A_49 : i32
      %scan3A_51 = arith.constant 1 : i32
      scf.for %scan3A_127 = %scan3A_48 to %scan3A_50 step %scan3A_51  : i32 {
        %mul3A_128 = arith.constant 16 : i32
        %mul3A_129 = arith.muli %scan3A_127, %mul3A_128 : i32
        %add3A_130 = arith.constant 0 : i32
        %add3A_131 = arith.addi %add3A_130, %mul3A_129 : i32
        %get3A = arith.index_cast %add3A_131 : i32 to index
        %get3A_132 = tpu.vector_load %arg11[%get3A] {strides = array<i32>} : memref<512xi32, #tpu.memory_space<vmem>>, vector<16xi32>,
        %mul3A_133 = arith.constant 7 : i32
        %mul3A_134 = vector.broadcast %mul3A_133 : i32 to vector<16xi32>
        %mul3A_135 = arith.muli %get3A_132, %mul3A_134 : vector<16xi32>
        %mul3A_136 = arith.constant 3 : i32
        %mul3A_137 = vector.broadcast %mul3A_136 : i32 to vector<16xi32>
        %mul3A_138 = arith.muli %get3A_132, %mul3A_137 : vector<16xi32>
        %gather3A = tpu.vector_load_idx %arg9[%mul3A_135] : memref<14000xf32, #tpu.memory_space<vmem>>[vector<16xi32>], vector<16xf32>,
        %add3A_139 = arith.constant 1 : i32
        %add3A_140 = vector.broadcast %add3A_139 : i32 to vector<16xi32>
        %add3A_141 = arith.addi %mul3A_135, %add3A_140 : vector<16xi32>
        %gather3A_142 = tpu.vector_load_idx %arg9[%add3A_141] : memref<14000xf32, #tpu.memory_space<vmem>>[vector<16xi32>], vector<16xf32>,
        %add3A_143 = arith.constant 2 : i32
        %add3A_144 = vector.broadcast %add3A_143 : i32 to vector<16xi32>
        %add3A_145 = arith.addi %mul3A_135, %add3A_144 : vector<16xi32>
        %gather3A_146 = tpu.vector_load_idx %arg9[%add3A_145] : memref<14000xf32, #tpu.memory_space<vmem>>[vector<16xi32>], vector<16xf32>,
        %add3A_147 = arith.constant 3 : i32
        %add3A_148 = vector.broadcast %add3A_147 : i32 to vector<16xi32>
        %add3A_149 = arith.addi %mul3A_135, %add3A_148 : vector<16xi32>
        %gather3A_150 = tpu.vector_load_idx %arg9[%add3A_149] : memref<14000xf32, #tpu.memory_space<vmem>>[vector<16xi32>], vector<16xf32>,
        %add3A_151 = arith.constant 4 : i32
        %add3A_152 = vector.broadcast %add3A_151 : i32 to vector<16xi32>
        %add3A_153 = arith.addi %mul3A_135, %add3A_152 : vector<16xi32>
        %gather3A_154 = tpu.vector_load_idx %arg9[%add3A_153] : memref<14000xf32, #tpu.memory_space<vmem>>[vector<16xi32>], vector<16xf32>,
        %add3A_155 = arith.constant 5 : i32
        %add3A_156 = vector.broadcast %add3A_155 : i32 to vector<16xi32>
        %add3A_157 = arith.addi %mul3A_135, %add3A_156 : vector<16xi32>
        %gather3A_158 = tpu.vector_load_idx %arg9[%add3A_157] : memref<14000xf32, #tpu.memory_space<vmem>>[vector<16xi32>], vector<16xf32>,
        %add3A_159 = arith.constant 6 : i32
        %add3A_160 = vector.broadcast %add3A_159 : i32 to vector<16xi32>
        %add3A_161 = arith.addi %mul3A_135, %add3A_160 : vector<16xi32>
        %gather3A_162 = tpu.vector_load_idx %arg9[%add3A_161] : memref<14000xf32, #tpu.memory_space<vmem>>[vector<16xi32>], vector<16xf32>,
        %gather3A_163 = tpu.vector_load_idx %arg10[%mul3A_138] : memref<6000xf32, #tpu.memory_space<vmem>>[vector<16xi32>], vector<16xf32>,
        %add3A_164 = arith.constant 1 : i32
        %add3A_165 = vector.broadcast %add3A_164 : i32 to vector<16xi32>
        %add3A_166 = arith.addi %mul3A_138, %add3A_165 : vector<16xi32>
        %gather3A_167 = tpu.vector_load_idx %arg10[%add3A_166] : memref<6000xf32, #tpu.memory_space<vmem>>[vector<16xi32>], vector<16xf32>,
        %add3A_168 = arith.constant 2 : i32
        %add3A_169 = vector.broadcast %add3A_168 : i32 to vector<16xi32>
        %add3A_170 = arith.addi %mul3A_138, %add3A_169 : vector<16xi32>
        %gather3A_171 = tpu.vector_load_idx %arg10[%add3A_170] : memref<6000xf32, #tpu.memory_space<vmem>>[vector<16xi32>], vector<16xf32>,
        %mul3A_172 = arith.constant 16 : i32
        %mul3A_173 = arith.muli %scan3A_127, %mul3A_172 : i32
        %get3A_174 = arith.index_cast %mul3A_173 : i32 to index
        %get3A_175 = tpu.vector_load %arg20[%get3A_174] {strides = array<i32>} : memref<128xf32, #tpu.memory_space<vmem>>, vector<16xf32>,
        %mul3A_176 = arith.constant 16 : i32
        %mul3A_177 = arith.muli %scan3A_127, %mul3A_176 : i32
        %get3A_178 = arith.index_cast %mul3A_177 : i32 to index
        %get3A_179 = tpu.vector_load %arg21[%get3A_178] {strides = array<i32>} : memref<128xf32, #tpu.memory_space<vmem>>, vector<16xf32>,
        %mul3A_180 = arith.constant 16 : i32
        %mul3A_181 = arith.muli %scan3A_127, %mul3A_180 : i32
        %get3A_182 = arith.index_cast %mul3A_181 : i32 to index
        %get3A_183 = tpu.vector_load %arg22[%get3A_182] {strides = array<i32>} : memref<128xf32, #tpu.memory_space<vmem>>, vector<16xf32>,
        %mul3A_184 = arith.constant 2 : i32
        %mul3A_185 = arith.muli %mul3A_184, %add3A_131 : i32
        %add3A_186 = vector.broadcast %mul3A_185 : i32 to vector<16xi32>
        %add3A_187 = arith.addi %mul3A_3, %add3A_186 : vector<16xi32>
        %gather3A_188 = tpu.vector_load_idx %arg16[%add3A_187] : memref<1024xf32, #tpu.memory_space<vmem>>[vector<16xi32>], vector<16xf32>,
        %add3A_189 = arith.constant 1 : i32
        %add3A_190 = vector.broadcast %add3A_189 : i32 to vector<16xi32>
        %add3A_191 = arith.addi %add3A_187, %add3A_190 : vector<16xi32>
        %gather3A_192 = tpu.vector_load_idx %arg16[%add3A_191] : memref<1024xf32, #tpu.memory_space<vmem>>[vector<16xi32>], vector<16xf32>,
        %mul3A_193 = arith.mulf %gather3A_146, %get3A_183 : vector<16xf32>
        %mul3A_194 = arith.mulf %gather3A_150, %get3A_179 : vector<16xf32>
        %sub3A = arith.subf %mul3A_193, %mul3A_194 : vector<16xf32>
        %mul3A_195 = arith.constant 2.000000e+00 : f32
        %mul3A_196 = vector.broadcast %mul3A_195 : f32 to vector<16xf32>
        %mul3A_197 = arith.mulf %mul3A_196, %sub3A : vector<16xf32>
        %mul3A_198 = arith.mulf %gather3A_150, %get3A_175 : vector<16xf32>
        %mul3A_199 = arith.mulf %gather3A_142, %get3A_183 : vector<16xf32>
        %sub3A_200 = arith.subf %mul3A_198, %mul3A_199 : vector<16xf32>
        %mul3A_201 = arith.constant 2.000000e+00 : f32
        %mul3A_202 = vector.broadcast %mul3A_201 : f32 to vector<16xf32>
        %mul3A_203 = arith.mulf %mul3A_202, %sub3A_200 : vector<16xf32>
        %mul3A_204 = arith.mulf %gather3A_142, %get3A_179 : vector<16xf32>
        %mul3A_205 = arith.mulf %gather3A_146, %get3A_175 : vector<16xf32>
        %sub3A_206 = arith.subf %mul3A_204, %mul3A_205 : vector<16xf32>
        %mul3A_207 = arith.constant 2.000000e+00 : f32
        %mul3A_208 = vector.broadcast %mul3A_207 : f32 to vector<16xf32>
        %mul3A_209 = arith.mulf %mul3A_208, %sub3A_206 : vector<16xf32>
        %mul3A_210 = arith.mulf %gather3A, %mul3A_197 : vector<16xf32>
        %add3A_211 = arith.addf %get3A_175, %mul3A_210 : vector<16xf32>
        %mul3A_212 = arith.mulf %gather3A_146, %mul3A_209 : vector<16xf32>
        %mul3A_213 = arith.mulf %gather3A_150, %mul3A_203 : vector<16xf32>
        %sub3A_214 = arith.subf %mul3A_212, %mul3A_213 : vector<16xf32>
        %add3A_215 = arith.addf %add3A_211, %sub3A_214 : vector<16xf32>
        %add3A_216 = arith.addf %add3A_215, %gather3A_154 : vector<16xf32>
        %mul3A_217 = arith.mulf %gather3A, %mul3A_203 : vector<16xf32>
        %add3A_218 = arith.addf %get3A_179, %mul3A_217 : vector<16xf32>
        %mul3A_219 = arith.mulf %gather3A_150, %mul3A_197 : vector<16xf32>
        %mul3A_220 = arith.mulf %gather3A_142, %mul3A_209 : vector<16xf32>
        %sub3A_221 = arith.subf %mul3A_219, %mul3A_220 : vector<16xf32>
        %add3A_222 = arith.addf %add3A_218, %sub3A_221 : vector<16xf32>
        %add3A_223 = arith.addf %add3A_222, %gather3A_158 : vector<16xf32>
        %mul3A_224 = arith.mulf %gather3A, %mul3A_209 : vector<16xf32>
        %add3A_225 = arith.addf %get3A_183, %mul3A_224 : vector<16xf32>
        %mul3A_226 = arith.mulf %gather3A_142, %mul3A_203 : vector<16xf32>
        %mul3A_227 = arith.mulf %gather3A_146, %mul3A_197 : vector<16xf32>
        %sub3A_228 = arith.subf %mul3A_226, %mul3A_227 : vector<16xf32>
        %add3A_229 = arith.addf %add3A_225, %sub3A_228 : vector<16xf32>
        %add3A_230 = arith.addf %add3A_229, %gather3A_162 : vector<16xf32>
        %neg3A = arith.constant 0.000000e+00 : f32
        %neg3A_231 = vector.broadcast %neg3A : f32 to vector<16xf32>
        %neg3A_232 = arith.subf %neg3A_231, %add3A_216 : vector<16xf32>
        %div3A = arith.divf %neg3A_232, %add3A_230 : vector<16xf32>
        %neg3A_233 = arith.constant 0.000000e+00 : f32
        %neg3A_234 = vector.broadcast %neg3A_233 : f32 to vector<16xf32>
        %neg3A_235 = arith.subf %neg3A_234, %add3A_223 : vector<16xf32>
        %div3A_236 = arith.divf %neg3A_235, %add3A_230 : vector<16xf32>
        %mul3A_237 = arith.mulf %div3A, %div3A : vector<16xf32>
        %mul3A_238 = arith.mulf %div3A_236, %div3A_236 : vector<16xf32>
        %add3A_239 = arith.addf %mul3A_237, %mul3A_238 : vector<16xf32>
        %mul3A_240 = arith.mulf %gather3A_171, %add3A_239 : vector<16xf32>
        %add3A_241 = arith.addf %gather3A_167, %mul3A_240 : vector<16xf32>
        %mul3A_242 = arith.mulf %add3A_239, %add3A_241 : vector<16xf32>
        %add3A_243 = arith.constant 1.000000e+00 : f32
        %add3A_244 = vector.broadcast %add3A_243 : f32 to vector<16xf32>
        %add3A_245 = arith.addf %add3A_244, %mul3A_242 : vector<16xf32>
        %mul3A_246 = arith.mulf %gather3A_163, %add3A_245 : vector<16xf32>
        %mul3A_247 = arith.mulf %mul3A_246, %div3A : vector<16xf32>
        %sub3A_248 = arith.subf %mul3A_247, %gather3A_188 : vector<16xf32>
        tpu.vector_store_idx %arg23[%add3A_187], %sub3A_248 : memref<1024xf32, #tpu.memory_space<vmem>>[vector<16xi32>], vector<16xf32>,
        %add3A_249 = arith.constant 1 : i32
        %add3A_250 = vector.broadcast %add3A_249 : i32 to vector<16xi32>
        %add3A_251 = arith.addi %add3A_187, %add3A_250 : vector<16xi32>
        %mul3A_252 = arith.mulf %mul3A_246, %div3A_236 : vector<16xf32>
        %sub3A_253 = arith.subf %mul3A_252, %gather3A_192 : vector<16xf32>
        tpu.vector_store_idx %arg23[%add3A_251], %sub3A_253 : memref<1024xf32, #tpu.memory_space<vmem>>[vector<16xi32>], vector<16xf32>,
      }
      %scan3A_52 = arith.constant 8 : i32
      %scan3A_53 = arith.constant 0 : i32
      %scan3A_54 = arith.constant 0 : i32
      %scan3A_55 = arith.constant 8 : i32
      %scan3A_56 = arith.addi %scan3A_54, %scan3A_55 : i32
      %scan3A_57 = arith.constant 1 : i32
      scf.for %scan3A_127 = %scan3A_54 to %scan3A_56 step %scan3A_57  : i32 {
        %mul3A_128 = arith.constant 16 : i32
        %mul3A_129 = arith.muli %scan3A_127, %mul3A_128 : i32
        %get3A = arith.index_cast %mul3A_129 : i32 to index
        %get3A_130 = tpu.vector_load %arg13[%get3A] {strides = array<i32>} : memref<128xi32, #tpu.memory_space<vmem>>, vector<16xi32>,
        %mul3A_131 = arith.constant 3 : i32
        %mul3A_132 = vector.broadcast %mul3A_131 : i32 to vector<16xi32>
        %mul3A_133 = arith.muli %get3A_130, %mul3A_132 : vector<16xi32>
        %mul3A_134 = arith.constant 16 : i32
        %mul3A_135 = arith.muli %scan3A_127, %mul3A_134 : i32
        %swap3A = arith.index_cast %mul3A_135 : i32 to index
        %swap3A_136 = tpu.vector_load %arg17[%swap3A] {strides = array<i32>} : memref<128xi32, #tpu.memory_space<vmem>>, vector<16xi32>,
        tpu.vector_store %arg17[%swap3A], %mul3A_133 {strides = array<i32>} : memref<128xi32, #tpu.memory_space<vmem>>, vector<16xi32>,
        %add3A_137 = arith.constant 1 : i32
        %add3A_138 = vector.broadcast %add3A_137 : i32 to vector<16xi32>
        %add3A_139 = arith.addi %mul3A_133, %add3A_138 : vector<16xi32>
        %mul3A_140 = arith.constant 16 : i32
        %mul3A_141 = arith.muli %scan3A_127, %mul3A_140 : i32
        %swap3A_142 = arith.index_cast %mul3A_141 : i32 to index
        %swap3A_143 = tpu.vector_load %arg18[%swap3A_142] {strides = array<i32>} : memref<128xi32, #tpu.memory_space<vmem>>, vector<16xi32>,
        tpu.vector_store %arg18[%swap3A_142], %add3A_139 {strides = array<i32>} : memref<128xi32, #tpu.memory_space<vmem>>, vector<16xi32>,
        %add3A_144 = arith.constant 2 : i32
        %add3A_145 = vector.broadcast %add3A_144 : i32 to vector<16xi32>
        %add3A_146 = arith.addi %mul3A_133, %add3A_145 : vector<16xi32>
        %mul3A_147 = arith.constant 16 : i32
        %mul3A_148 = arith.muli %scan3A_127, %mul3A_147 : i32
        %swap3A_149 = arith.index_cast %mul3A_148 : i32 to index
        %swap3A_150 = tpu.vector_load %arg19[%swap3A_149] {strides = array<i32>} : memref<128xi32, #tpu.memory_space<vmem>>, vector<16xi32>,
        tpu.vector_store %arg19[%swap3A_149], %add3A_146 {strides = array<i32>} : memref<128xi32, #tpu.memory_space<vmem>>, vector<16xi32>,
      }
      %scan3A_58 = arith.constant 8 : i32
      %dma_start3A_59 = arith.constant 0 : i32
      %dma_start3A_60 = tpu.memref_slice %arg7[%dma_start3A_59] : memref<600000xf32, #tpu.memory_space<hbm>> -> memref<600000xf32, #tpu.memory_space<hbm>>
      tpu.enqueue_indirect_dma source(%dma_start3A_60 : memref<600000xf32, #tpu.memory_space<hbm>>) target(%arg20 : memref<128xf32, #tpu.memory_space<vmem>>) offsets(%arg17 : memref<128xi32, #tpu.memory_space<vmem>>) semaphore(%arg24 : memref<!tpu.dma_semaphore, #tpu.memory_space<semaphore_mem>>)
      %dma_wait3A_61 = arith.constant 0 : i32
      %dma_wait3A_62 = tpu.memref_slice %arg7[%dma_wait3A_61] : memref<600000xf32, #tpu.memory_space<hbm>> -> memref<600000xf32, #tpu.memory_space<hbm>>
      tpu.wait_indirect_dma semaphore(%arg24 : memref<!tpu.dma_semaphore, #tpu.memory_space<semaphore_mem>>) src(%dma_wait3A_62 : memref<600000xf32, #tpu.memory_space<hbm>>) dst(%arg20 : memref<128xf32, #tpu.memory_space<vmem>>)
      %dma_start3A_63 = arith.constant 0 : i32
      %dma_start3A_64 = tpu.memref_slice %arg7[%dma_start3A_63] : memref<600000xf32, #tpu.memory_space<hbm>> -> memref<600000xf32, #tpu.memory_space<hbm>>
      tpu.enqueue_indirect_dma source(%dma_start3A_64 : memref<600000xf32, #tpu.memory_space<hbm>>) target(%arg21 : memref<128xf32, #tpu.memory_space<vmem>>) offsets(%arg18 : memref<128xi32, #tpu.memory_space<vmem>>) semaphore(%arg24 : memref<!tpu.dma_semaphore, #tpu.memory_space<semaphore_mem>>)
      %dma_wait3A_65 = arith.constant 0 : i32
      %dma_wait3A_66 = tpu.memref_slice %arg7[%dma_wait3A_65] : memref<600000xf32, #tpu.memory_space<hbm>> -> memref<600000xf32, #tpu.memory_space<hbm>>
      tpu.wait_indirect_dma semaphore(%arg24 : memref<!tpu.dma_semaphore, #tpu.memory_space<semaphore_mem>>) src(%dma_wait3A_66 : memref<600000xf32, #tpu.memory_space<hbm>>) dst(%arg21 : memref<128xf32, #tpu.memory_space<vmem>>)
      %dma_start3A_67 = arith.constant 0 : i32
      %dma_start3A_68 = tpu.memref_slice %arg7[%dma_start3A_67] : memref<600000xf32, #tpu.memory_space<hbm>> -> memref<600000xf32, #tpu.memory_space<hbm>>
      tpu.enqueue_indirect_dma source(%dma_start3A_68 : memref<600000xf32, #tpu.memory_space<hbm>>) target(%arg22 : memref<128xf32, #tpu.memory_space<vmem>>) offsets(%arg19 : memref<128xi32, #tpu.memory_space<vmem>>) semaphore(%arg24 : memref<!tpu.dma_semaphore, #tpu.memory_space<semaphore_mem>>)
      %dma_wait3A_69 = arith.constant 0 : i32
      %dma_wait3A_70 = tpu.memref_slice %arg7[%dma_wait3A_69] : memref<600000xf32, #tpu.memory_space<hbm>> -> memref<600000xf32, #tpu.memory_space<hbm>>
      tpu.wait_indirect_dma semaphore(%arg24 : memref<!tpu.dma_semaphore, #tpu.memory_space<semaphore_mem>>) src(%dma_wait3A_70 : memref<600000xf32, #tpu.memory_space<hbm>>) dst(%arg22 : memref<128xf32, #tpu.memory_space<vmem>>)
      %scan3A_71 = arith.constant 0 : i32
      %scan3A_72 = arith.constant 0 : i32
      %scan3A_73 = arith.constant 8 : i32
      %scan3A_74 = arith.addi %scan3A_72, %scan3A_73 : i32
      %scan3A_75 = arith.constant 1 : i32
      scf.for %scan3A_127 = %scan3A_72 to %scan3A_74 step %scan3A_75  : i32 {
        %mul3A_128 = arith.constant 16 : i32
        %mul3A_129 = arith.muli %scan3A_127, %mul3A_128 : i32
        %add3A_130 = arith.constant 128 : i32
        %add3A_131 = arith.addi %add3A_130, %mul3A_129 : i32
        %get3A = arith.index_cast %add3A_131 : i32 to index
        %get3A_132 = tpu.vector_load %arg11[%get3A] {strides = array<i32>} : memref<512xi32, #tpu.memory_space<vmem>>, vector<16xi32>,
        %mul3A_133 = arith.constant 7 : i32
        %mul3A_134 = vector.broadcast %mul3A_133 : i32 to vector<16xi32>
        %mul3A_135 = arith.muli %get3A_132, %mul3A_134 : vector<16xi32>
        %mul3A_136 = arith.constant 3 : i32
        %mul3A_137 = vector.broadcast %mul3A_136 : i32 to vector<16xi32>
        %mul3A_138 = arith.muli %get3A_132, %mul3A_137 : vector<16xi32>
        %gather3A = tpu.vector_load_idx %arg9[%mul3A_135] : memref<14000xf32, #tpu.memory_space<vmem>>[vector<16xi32>], vector<16xf32>,
        %add3A_139 = arith.constant 1 : i32
        %add3A_140 = vector.broadcast %add3A_139 : i32 to vector<16xi32>
        %add3A_141 = arith.addi %mul3A_135, %add3A_140 : vector<16xi32>
        %gather3A_142 = tpu.vector_load_idx %arg9[%add3A_141] : memref<14000xf32, #tpu.memory_space<vmem>>[vector<16xi32>], vector<16xf32>,
        %add3A_143 = arith.constant 2 : i32
        %add3A_144 = vector.broadcast %add3A_143 : i32 to vector<16xi32>
        %add3A_145 = arith.addi %mul3A_135, %add3A_144 : vector<16xi32>
        %gather3A_146 = tpu.vector_load_idx %arg9[%add3A_145] : memref<14000xf32, #tpu.memory_space<vmem>>[vector<16xi32>], vector<16xf32>,
        %add3A_147 = arith.constant 3 : i32
        %add3A_148 = vector.broadcast %add3A_147 : i32 to vector<16xi32>
        %add3A_149 = arith.addi %mul3A_135, %add3A_148 : vector<16xi32>
        %gather3A_150 = tpu.vector_load_idx %arg9[%add3A_149] : memref<14000xf32, #tpu.memory_space<vmem>>[vector<16xi32>], vector<16xf32>,
        %add3A_151 = arith.constant 4 : i32
        %add3A_152 = vector.broadcast %add3A_151 : i32 to vector<16xi32>
        %add3A_153 = arith.addi %mul3A_135, %add3A_152 : vector<16xi32>
        %gather3A_154 = tpu.vector_load_idx %arg9[%add3A_153] : memref<14000xf32, #tpu.memory_space<vmem>>[vector<16xi32>], vector<16xf32>,
        %add3A_155 = arith.constant 5 : i32
        %add3A_156 = vector.broadcast %add3A_155 : i32 to vector<16xi32>
        %add3A_157 = arith.addi %mul3A_135, %add3A_156 : vector<16xi32>
        %gather3A_158 = tpu.vector_load_idx %arg9[%add3A_157] : memref<14000xf32, #tpu.memory_space<vmem>>[vector<16xi32>], vector<16xf32>,
        %add3A_159 = arith.constant 6 : i32
        %add3A_160 = vector.broadcast %add3A_159 : i32 to vector<16xi32>
        %add3A_161 = arith.addi %mul3A_135, %add3A_160 : vector<16xi32>
        %gather3A_162 = tpu.vector_load_idx %arg9[%add3A_161] : memref<14000xf32, #tpu.memory_space<vmem>>[vector<16xi32>], vector<16xf32>,
        %gather3A_163 = tpu.vector_load_idx %arg10[%mul3A_138] : memref<6000xf32, #tpu.memory_space<vmem>>[vector<16xi32>], vector<16xf32>,
        %add3A_164 = arith.constant 1 : i32
        %add3A_165 = vector.broadcast %add3A_164 : i32 to vector<16xi32>
        %add3A_166 = arith.addi %mul3A_138, %add3A_165 : vector<16xi32>
        %gather3A_167 = tpu.vector_load_idx %arg10[%add3A_166] : memref<6000xf32, #tpu.memory_space<vmem>>[vector<16xi32>], vector<16xf32>,
        %add3A_168 = arith.constant 2 : i32
        %add3A_169 = vector.broadcast %add3A_168 : i32 to vector<16xi32>
        %add3A_170 = arith.addi %mul3A_138, %add3A_169 : vector<16xi32>
        %gather3A_171 = tpu.vector_load_idx %arg10[%add3A_170] : memref<6000xf32, #tpu.memory_space<vmem>>[vector<16xi32>], vector<16xf32>,
        %mul3A_172 = arith.constant 16 : i32
        %mul3A_173 = arith.muli %scan3A_127, %mul3A_172 : i32
        %get3A_174 = arith.index_cast %mul3A_173 : i32 to index
        %get3A_175 = tpu.vector_load %arg20[%get3A_174] {strides = array<i32>} : memref<128xf32, #tpu.memory_space<vmem>>, vector<16xf32>,
        %mul3A_176 = arith.constant 16 : i32
        %mul3A_177 = arith.muli %scan3A_127, %mul3A_176 : i32
        %get3A_178 = arith.index_cast %mul3A_177 : i32 to index
        %get3A_179 = tpu.vector_load %arg21[%get3A_178] {strides = array<i32>} : memref<128xf32, #tpu.memory_space<vmem>>, vector<16xf32>,
        %mul3A_180 = arith.constant 16 : i32
        %mul3A_181 = arith.muli %scan3A_127, %mul3A_180 : i32
        %get3A_182 = arith.index_cast %mul3A_181 : i32 to index
        %get3A_183 = tpu.vector_load %arg22[%get3A_182] {strides = array<i32>} : memref<128xf32, #tpu.memory_space<vmem>>, vector<16xf32>,
        %mul3A_184 = arith.constant 2 : i32
        %mul3A_185 = arith.muli %mul3A_184, %add3A_131 : i32
        %add3A_186 = vector.broadcast %mul3A_185 : i32 to vector<16xi32>
        %add3A_187 = arith.addi %mul3A_3, %add3A_186 : vector<16xi32>
        %gather3A_188 = tpu.vector_load_idx %arg16[%add3A_187] : memref<1024xf32, #tpu.memory_space<vmem>>[vector<16xi32>], vector<16xf32>,
        %add3A_189 = arith.constant 1 : i32
        %add3A_190 = vector.broadcast %add3A_189 : i32 to vector<16xi32>
        %add3A_191 = arith.addi %add3A_187, %add3A_190 : vector<16xi32>
        %gather3A_192 = tpu.vector_load_idx %arg16[%add3A_191] : memref<1024xf32, #tpu.memory_space<vmem>>[vector<16xi32>], vector<16xf32>,
        %mul3A_193 = arith.mulf %gather3A_146, %get3A_183 : vector<16xf32>
        %mul3A_194 = arith.mulf %gather3A_150, %get3A_179 : vector<16xf32>
        %sub3A = arith.subf %mul3A_193, %mul3A_194 : vector<16xf32>
        %mul3A_195 = arith.constant 2.000000e+00 : f32
        %mul3A_196 = vector.broadcast %mul3A_195 : f32 to vector<16xf32>
        %mul3A_197 = arith.mulf %mul3A_196, %sub3A : vector<16xf32>
        %mul3A_198 = arith.mulf %gather3A_150, %get3A_175 : vector<16xf32>
        %mul3A_199 = arith.mulf %gather3A_142, %get3A_183 : vector<16xf32>
        %sub3A_200 = arith.subf %mul3A_198, %mul3A_199 : vector<16xf32>
        %mul3A_201 = arith.constant 2.000000e+00 : f32
        %mul3A_202 = vector.broadcast %mul3A_201 : f32 to vector<16xf32>
        %mul3A_203 = arith.mulf %mul3A_202, %sub3A_200 : vector<16xf32>
        %mul3A_204 = arith.mulf %gather3A_142, %get3A_179 : vector<16xf32>
        %mul3A_205 = arith.mulf %gather3A_146, %get3A_175 : vector<16xf32>
        %sub3A_206 = arith.subf %mul3A_204, %mul3A_205 : vector<16xf32>
        %mul3A_207 = arith.constant 2.000000e+00 : f32
        %mul3A_208 = vector.broadcast %mul3A_207 : f32 to vector<16xf32>
        %mul3A_209 = arith.mulf %mul3A_208, %sub3A_206 : vector<16xf32>
        %mul3A_210 = arith.mulf %gather3A, %mul3A_197 : vector<16xf32>
        %add3A_211 = arith.addf %get3A_175, %mul3A_210 : vector<16xf32>
        %mul3A_212 = arith.mulf %gather3A_146, %mul3A_209 : vector<16xf32>
        %mul3A_213 = arith.mulf %gather3A_150, %mul3A_203 : vector<16xf32>
        %sub3A_214 = arith.subf %mul3A_212, %mul3A_213 : vector<16xf32>
        %add3A_215 = arith.addf %add3A_211, %sub3A_214 : vector<16xf32>
        %add3A_216 = arith.addf %add3A_215, %gather3A_154 : vector<16xf32>
        %mul3A_217 = arith.mulf %gather3A, %mul3A_203 : vector<16xf32>
        %add3A_218 = arith.addf %get3A_179, %mul3A_217 : vector<16xf32>
        %mul3A_219 = arith.mulf %gather3A_150, %mul3A_197 : vector<16xf32>
        %mul3A_220 = arith.mulf %gather3A_142, %mul3A_209 : vector<16xf32>
        %sub3A_221 = arith.subf %mul3A_219, %mul3A_220 : vector<16xf32>
        %add3A_222 = arith.addf %add3A_218, %sub3A_221 : vector<16xf32>
        %add3A_223 = arith.addf %add3A_222, %gather3A_158 : vector<16xf32>
        %mul3A_224 = arith.mulf %gather3A, %mul3A_209 : vector<16xf32>
        %add3A_225 = arith.addf %get3A_183, %mul3A_224 : vector<16xf32>
        %mul3A_226 = arith.mulf %gather3A_142, %mul3A_203 : vector<16xf32>
        %mul3A_227 = arith.mulf %gather3A_146, %mul3A_197 : vector<16xf32>
        %sub3A_228 = arith.subf %mul3A_226, %mul3A_227 : vector<16xf32>
        %add3A_229 = arith.addf %add3A_225, %sub3A_228 : vector<16xf32>
        %add3A_230 = arith.addf %add3A_229, %gather3A_162 : vector<16xf32>
        %neg3A = arith.constant 0.000000e+00 : f32
        %neg3A_231 = vector.broadcast %neg3A : f32 to vector<16xf32>
        %neg3A_232 = arith.subf %neg3A_231, %add3A_216 : vector<16xf32>
        %div3A = arith.divf %neg3A_232, %add3A_230 : vector<16xf32>
        %neg3A_233 = arith.constant 0.000000e+00 : f32
        %neg3A_234 = vector.broadcast %neg3A_233 : f32 to vector<16xf32>
        %neg3A_235 = arith.subf %neg3A_234, %add3A_223 : vector<16xf32>
        %div3A_236 = arith.divf %neg3A_235, %add3A_230 : vector<16xf32>
        %mul3A_237 = arith.mulf %div3A, %div3A : vector<16xf32>
        %mul3A_238 = arith.mulf %div3A_236, %div3A_236 : vector<16xf32>
        %add3A_239 = arith.addf %mul3A_237, %mul3A_238 : vector<16xf32>
        %mul3A_240 = arith.mulf %gather3A_171, %add3A_239 : vector<16xf32>
        %add3A_241 = arith.addf %gather3A_167, %mul3A_240 : vector<16xf32>
        %mul3A_242 = arith.mulf %add3A_239, %add3A_241 : vector<16xf32>
        %add3A_243 = arith.constant 1.000000e+00 : f32
        %add3A_244 = vector.broadcast %add3A_243 : f32 to vector<16xf32>
        %add3A_245 = arith.addf %add3A_244, %mul3A_242 : vector<16xf32>
        %mul3A_246 = arith.mulf %gather3A_163, %add3A_245 : vector<16xf32>
        %mul3A_247 = arith.mulf %mul3A_246, %div3A : vector<16xf32>
        %sub3A_248 = arith.subf %mul3A_247, %gather3A_188 : vector<16xf32>
        tpu.vector_store_idx %arg23[%add3A_187], %sub3A_248 : memref<1024xf32, #tpu.memory_space<vmem>>[vector<16xi32>], vector<16xf32>,
        %add3A_249 = arith.constant 1 : i32
        %add3A_250 = vector.broadcast %add3A_249 : i32 to vector<16xi32>
        %add3A_251 = arith.addi %add3A_187, %add3A_250 : vector<16xi32>
        %mul3A_252 = arith.mulf %mul3A_246, %div3A_236 : vector<16xf32>
        %sub3A_253 = arith.subf %mul3A_252, %gather3A_192 : vector<16xf32>
        tpu.vector_store_idx %arg23[%add3A_251], %sub3A_253 : memref<1024xf32, #tpu.memory_space<vmem>>[vector<16xi32>], vector<16xf32>,
      }
      %scan3A_76 = arith.constant 8 : i32
      %scan3A_77 = arith.constant 0 : i32
      %scan3A_78 = arith.constant 0 : i32
      %scan3A_79 = arith.constant 8 : i32
      %scan3A_80 = arith.addi %scan3A_78, %scan3A_79 : i32
      %scan3A_81 = arith.constant 1 : i32
      scf.for %scan3A_127 = %scan3A_78 to %scan3A_80 step %scan3A_81  : i32 {
        %mul3A_128 = arith.constant 16 : i32
        %mul3A_129 = arith.muli %scan3A_127, %mul3A_128 : i32
        %get3A = arith.index_cast %mul3A_129 : i32 to index
        %get3A_130 = tpu.vector_load %arg14[%get3A] {strides = array<i32>} : memref<128xi32, #tpu.memory_space<vmem>>, vector<16xi32>,
        %mul3A_131 = arith.constant 3 : i32
        %mul3A_132 = vector.broadcast %mul3A_131 : i32 to vector<16xi32>
        %mul3A_133 = arith.muli %get3A_130, %mul3A_132 : vector<16xi32>
        %mul3A_134 = arith.constant 16 : i32
        %mul3A_135 = arith.muli %scan3A_127, %mul3A_134 : i32
        %swap3A = arith.index_cast %mul3A_135 : i32 to index
        %swap3A_136 = tpu.vector_load %arg17[%swap3A] {strides = array<i32>} : memref<128xi32, #tpu.memory_space<vmem>>, vector<16xi32>,
        tpu.vector_store %arg17[%swap3A], %mul3A_133 {strides = array<i32>} : memref<128xi32, #tpu.memory_space<vmem>>, vector<16xi32>,
        %add3A_137 = arith.constant 1 : i32
        %add3A_138 = vector.broadcast %add3A_137 : i32 to vector<16xi32>
        %add3A_139 = arith.addi %mul3A_133, %add3A_138 : vector<16xi32>
        %mul3A_140 = arith.constant 16 : i32
        %mul3A_141 = arith.muli %scan3A_127, %mul3A_140 : i32
        %swap3A_142 = arith.index_cast %mul3A_141 : i32 to index
        %swap3A_143 = tpu.vector_load %arg18[%swap3A_142] {strides = array<i32>} : memref<128xi32, #tpu.memory_space<vmem>>, vector<16xi32>,
        tpu.vector_store %arg18[%swap3A_142], %add3A_139 {strides = array<i32>} : memref<128xi32, #tpu.memory_space<vmem>>, vector<16xi32>,
        %add3A_144 = arith.constant 2 : i32
        %add3A_145 = vector.broadcast %add3A_144 : i32 to vector<16xi32>
        %add3A_146 = arith.addi %mul3A_133, %add3A_145 : vector<16xi32>
        %mul3A_147 = arith.constant 16 : i32
        %mul3A_148 = arith.muli %scan3A_127, %mul3A_147 : i32
        %swap3A_149 = arith.index_cast %mul3A_148 : i32 to index
        %swap3A_150 = tpu.vector_load %arg19[%swap3A_149] {strides = array<i32>} : memref<128xi32, #tpu.memory_space<vmem>>, vector<16xi32>,
        tpu.vector_store %arg19[%swap3A_149], %add3A_146 {strides = array<i32>} : memref<128xi32, #tpu.memory_space<vmem>>, vector<16xi32>,
      }
      %scan3A_82 = arith.constant 8 : i32
      %dma_start3A_83 = arith.constant 0 : i32
      %dma_start3A_84 = tpu.memref_slice %arg7[%dma_start3A_83] : memref<600000xf32, #tpu.memory_space<hbm>> -> memref<600000xf32, #tpu.memory_space<hbm>>
      tpu.enqueue_indirect_dma source(%dma_start3A_84 : memref<600000xf32, #tpu.memory_space<hbm>>) target(%arg20 : memref<128xf32, #tpu.memory_space<vmem>>) offsets(%arg17 : memref<128xi32, #tpu.memory_space<vmem>>) semaphore(%arg24 : memref<!tpu.dma_semaphore, #tpu.memory_space<semaphore_mem>>)
      %dma_wait3A_85 = arith.constant 0 : i32
      %dma_wait3A_86 = tpu.memref_slice %arg7[%dma_wait3A_85] : memref<600000xf32, #tpu.memory_space<hbm>> -> memref<600000xf32, #tpu.memory_space<hbm>>
      tpu.wait_indirect_dma semaphore(%arg24 : memref<!tpu.dma_semaphore, #tpu.memory_space<semaphore_mem>>) src(%dma_wait3A_86 : memref<600000xf32, #tpu.memory_space<hbm>>) dst(%arg20 : memref<128xf32, #tpu.memory_space<vmem>>)
      %dma_start3A_87 = arith.constant 0 : i32
      %dma_start3A_88 = tpu.memref_slice %arg7[%dma_start3A_87] : memref<600000xf32, #tpu.memory_space<hbm>> -> memref<600000xf32, #tpu.memory_space<hbm>>
      tpu.enqueue_indirect_dma source(%dma_start3A_88 : memref<600000xf32, #tpu.memory_space<hbm>>) target(%arg21 : memref<128xf32, #tpu.memory_space<vmem>>) offsets(%arg18 : memref<128xi32, #tpu.memory_space<vmem>>) semaphore(%arg24 : memref<!tpu.dma_semaphore, #tpu.memory_space<semaphore_mem>>)
      %dma_wait3A_89 = arith.constant 0 : i32
      %dma_wait3A_90 = tpu.memref_slice %arg7[%dma_wait3A_89] : memref<600000xf32, #tpu.memory_space<hbm>> -> memref<600000xf32, #tpu.memory_space<hbm>>
      tpu.wait_indirect_dma semaphore(%arg24 : memref<!tpu.dma_semaphore, #tpu.memory_space<semaphore_mem>>) src(%dma_wait3A_90 : memref<600000xf32, #tpu.memory_space<hbm>>) dst(%arg21 : memref<128xf32, #tpu.memory_space<vmem>>)
      %dma_start3A_91 = arith.constant 0 : i32
      %dma_start3A_92 = tpu.memref_slice %arg7[%dma_start3A_91] : memref<600000xf32, #tpu.memory_space<hbm>> -> memref<600000xf32, #tpu.memory_space<hbm>>
      tpu.enqueue_indirect_dma source(%dma_start3A_92 : memref<600000xf32, #tpu.memory_space<hbm>>) target(%arg22 : memref<128xf32, #tpu.memory_space<vmem>>) offsets(%arg19 : memref<128xi32, #tpu.memory_space<vmem>>) semaphore(%arg24 : memref<!tpu.dma_semaphore, #tpu.memory_space<semaphore_mem>>)
      %dma_wait3A_93 = arith.constant 0 : i32
      %dma_wait3A_94 = tpu.memref_slice %arg7[%dma_wait3A_93] : memref<600000xf32, #tpu.memory_space<hbm>> -> memref<600000xf32, #tpu.memory_space<hbm>>
      tpu.wait_indirect_dma semaphore(%arg24 : memref<!tpu.dma_semaphore, #tpu.memory_space<semaphore_mem>>) src(%dma_wait3A_94 : memref<600000xf32, #tpu.memory_space<hbm>>) dst(%arg22 : memref<128xf32, #tpu.memory_space<vmem>>)
      %scan3A_95 = arith.constant 0 : i32
      %scan3A_96 = arith.constant 0 : i32
      %scan3A_97 = arith.constant 8 : i32
      %scan3A_98 = arith.addi %scan3A_96, %scan3A_97 : i32
      %scan3A_99 = arith.constant 1 : i32
      scf.for %scan3A_127 = %scan3A_96 to %scan3A_98 step %scan3A_99  : i32 {
        %mul3A_128 = arith.constant 16 : i32
        %mul3A_129 = arith.muli %scan3A_127, %mul3A_128 : i32
        %add3A_130 = arith.constant 256 : i32
        %add3A_131 = arith.addi %add3A_130, %mul3A_129 : i32
        %get3A = arith.index_cast %add3A_131 : i32 to index
        %get3A_132 = tpu.vector_load %arg11[%get3A] {strides = array<i32>} : memref<512xi32, #tpu.memory_space<vmem>>, vector<16xi32>,
        %mul3A_133 = arith.constant 7 : i32
        %mul3A_134 = vector.broadcast %mul3A_133 : i32 to vector<16xi32>
        %mul3A_135 = arith.muli %get3A_132, %mul3A_134 : vector<16xi32>
        %mul3A_136 = arith.constant 3 : i32
        %mul3A_137 = vector.broadcast %mul3A_136 : i32 to vector<16xi32>
        %mul3A_138 = arith.muli %get3A_132, %mul3A_137 : vector<16xi32>
        %gather3A = tpu.vector_load_idx %arg9[%mul3A_135] : memref<14000xf32, #tpu.memory_space<vmem>>[vector<16xi32>], vector<16xf32>,
        %add3A_139 = arith.constant 1 : i32
        %add3A_140 = vector.broadcast %add3A_139 : i32 to vector<16xi32>
        %add3A_141 = arith.addi %mul3A_135, %add3A_140 : vector<16xi32>
        %gather3A_142 = tpu.vector_load_idx %arg9[%add3A_141] : memref<14000xf32, #tpu.memory_space<vmem>>[vector<16xi32>], vector<16xf32>,
        %add3A_143 = arith.constant 2 : i32
        %add3A_144 = vector.broadcast %add3A_143 : i32 to vector<16xi32>
        %add3A_145 = arith.addi %mul3A_135, %add3A_144 : vector<16xi32>
        %gather3A_146 = tpu.vector_load_idx %arg9[%add3A_145] : memref<14000xf32, #tpu.memory_space<vmem>>[vector<16xi32>], vector<16xf32>,
        %add3A_147 = arith.constant 3 : i32
        %add3A_148 = vector.broadcast %add3A_147 : i32 to vector<16xi32>
        %add3A_149 = arith.addi %mul3A_135, %add3A_148 : vector<16xi32>
        %gather3A_150 = tpu.vector_load_idx %arg9[%add3A_149] : memref<14000xf32, #tpu.memory_space<vmem>>[vector<16xi32>], vector<16xf32>,
        %add3A_151 = arith.constant 4 : i32
        %add3A_152 = vector.broadcast %add3A_151 : i32 to vector<16xi32>
        %add3A_153 = arith.addi %mul3A_135, %add3A_152 : vector<16xi32>
        %gather3A_154 = tpu.vector_load_idx %arg9[%add3A_153] : memref<14000xf32, #tpu.memory_space<vmem>>[vector<16xi32>], vector<16xf32>,
        %add3A_155 = arith.constant 5 : i32
        %add3A_156 = vector.broadcast %add3A_155 : i32 to vector<16xi32>
        %add3A_157 = arith.addi %mul3A_135, %add3A_156 : vector<16xi32>
        %gather3A_158 = tpu.vector_load_idx %arg9[%add3A_157] : memref<14000xf32, #tpu.memory_space<vmem>>[vector<16xi32>], vector<16xf32>,
        %add3A_159 = arith.constant 6 : i32
        %add3A_160 = vector.broadcast %add3A_159 : i32 to vector<16xi32>
        %add3A_161 = arith.addi %mul3A_135, %add3A_160 : vector<16xi32>
        %gather3A_162 = tpu.vector_load_idx %arg9[%add3A_161] : memref<14000xf32, #tpu.memory_space<vmem>>[vector<16xi32>], vector<16xf32>,
        %gather3A_163 = tpu.vector_load_idx %arg10[%mul3A_138] : memref<6000xf32, #tpu.memory_space<vmem>>[vector<16xi32>], vector<16xf32>,
        %add3A_164 = arith.constant 1 : i32
        %add3A_165 = vector.broadcast %add3A_164 : i32 to vector<16xi32>
        %add3A_166 = arith.addi %mul3A_138, %add3A_165 : vector<16xi32>
        %gather3A_167 = tpu.vector_load_idx %arg10[%add3A_166] : memref<6000xf32, #tpu.memory_space<vmem>>[vector<16xi32>], vector<16xf32>,
        %add3A_168 = arith.constant 2 : i32
        %add3A_169 = vector.broadcast %add3A_168 : i32 to vector<16xi32>
        %add3A_170 = arith.addi %mul3A_138, %add3A_169 : vector<16xi32>
        %gather3A_171 = tpu.vector_load_idx %arg10[%add3A_170] : memref<6000xf32, #tpu.memory_space<vmem>>[vector<16xi32>], vector<16xf32>,
        %mul3A_172 = arith.constant 16 : i32
        %mul3A_173 = arith.muli %scan3A_127, %mul3A_172 : i32
        %get3A_174 = arith.index_cast %mul3A_173 : i32 to index
        %get3A_175 = tpu.vector_load %arg20[%get3A_174] {strides = array<i32>} : memref<128xf32, #tpu.memory_space<vmem>>, vector<16xf32>,
        %mul3A_176 = arith.constant 16 : i32
        %mul3A_177 = arith.muli %scan3A_127, %mul3A_176 : i32
        %get3A_178 = arith.index_cast %mul3A_177 : i32 to index
        %get3A_179 = tpu.vector_load %arg21[%get3A_178] {strides = array<i32>} : memref<128xf32, #tpu.memory_space<vmem>>, vector<16xf32>,
        %mul3A_180 = arith.constant 16 : i32
        %mul3A_181 = arith.muli %scan3A_127, %mul3A_180 : i32
        %get3A_182 = arith.index_cast %mul3A_181 : i32 to index
        %get3A_183 = tpu.vector_load %arg22[%get3A_182] {strides = array<i32>} : memref<128xf32, #tpu.memory_space<vmem>>, vector<16xf32>,
        %mul3A_184 = arith.constant 2 : i32
        %mul3A_185 = arith.muli %mul3A_184, %add3A_131 : i32
        %add3A_186 = vector.broadcast %mul3A_185 : i32 to vector<16xi32>
        %add3A_187 = arith.addi %mul3A_3, %add3A_186 : vector<16xi32>
        %gather3A_188 = tpu.vector_load_idx %arg16[%add3A_187] : memref<1024xf32, #tpu.memory_space<vmem>>[vector<16xi32>], vector<16xf32>,
        %add3A_189 = arith.constant 1 : i32
        %add3A_190 = vector.broadcast %add3A_189 : i32 to vector<16xi32>
        %add3A_191 = arith.addi %add3A_187, %add3A_190 : vector<16xi32>
        %gather3A_192 = tpu.vector_load_idx %arg16[%add3A_191] : memref<1024xf32, #tpu.memory_space<vmem>>[vector<16xi32>], vector<16xf32>,
        %mul3A_193 = arith.mulf %gather3A_146, %get3A_183 : vector<16xf32>
        %mul3A_194 = arith.mulf %gather3A_150, %get3A_179 : vector<16xf32>
        %sub3A = arith.subf %mul3A_193, %mul3A_194 : vector<16xf32>
        %mul3A_195 = arith.constant 2.000000e+00 : f32
        %mul3A_196 = vector.broadcast %mul3A_195 : f32 to vector<16xf32>
        %mul3A_197 = arith.mulf %mul3A_196, %sub3A : vector<16xf32>
        %mul3A_198 = arith.mulf %gather3A_150, %get3A_175 : vector<16xf32>
        %mul3A_199 = arith.mulf %gather3A_142, %get3A_183 : vector<16xf32>
        %sub3A_200 = arith.subf %mul3A_198, %mul3A_199 : vector<16xf32>
        %mul3A_201 = arith.constant 2.000000e+00 : f32
        %mul3A_202 = vector.broadcast %mul3A_201 : f32 to vector<16xf32>
        %mul3A_203 = arith.mulf %mul3A_202, %sub3A_200 : vector<16xf32>
        %mul3A_204 = arith.mulf %gather3A_142, %get3A_179 : vector<16xf32>
        %mul3A_205 = arith.mulf %gather3A_146, %get3A_175 : vector<16xf32>
        %sub3A_206 = arith.subf %mul3A_204, %mul3A_205 : vector<16xf32>
        %mul3A_207 = arith.constant 2.000000e+00 : f32
        %mul3A_208 = vector.broadcast %mul3A_207 : f32 to vector<16xf32>
        %mul3A_209 = arith.mulf %mul3A_208, %sub3A_206 : vector<16xf32>
        %mul3A_210 = arith.mulf %gather3A, %mul3A_197 : vector<16xf32>
        %add3A_211 = arith.addf %get3A_175, %mul3A_210 : vector<16xf32>
        %mul3A_212 = arith.mulf %gather3A_146, %mul3A_209 : vector<16xf32>
        %mul3A_213 = arith.mulf %gather3A_150, %mul3A_203 : vector<16xf32>
        %sub3A_214 = arith.subf %mul3A_212, %mul3A_213 : vector<16xf32>
        %add3A_215 = arith.addf %add3A_211, %sub3A_214 : vector<16xf32>
        %add3A_216 = arith.addf %add3A_215, %gather3A_154 : vector<16xf32>
        %mul3A_217 = arith.mulf %gather3A, %mul3A_203 : vector<16xf32>
        %add3A_218 = arith.addf %get3A_179, %mul3A_217 : vector<16xf32>
        %mul3A_219 = arith.mulf %gather3A_150, %mul3A_197 : vector<16xf32>
        %mul3A_220 = arith.mulf %gather3A_142, %mul3A_209 : vector<16xf32>
        %sub3A_221 = arith.subf %mul3A_219, %mul3A_220 : vector<16xf32>
        %add3A_222 = arith.addf %add3A_218, %sub3A_221 : vector<16xf32>
        %add3A_223 = arith.addf %add3A_222, %gather3A_158 : vector<16xf32>
        %mul3A_224 = arith.mulf %gather3A, %mul3A_209 : vector<16xf32>
        %add3A_225 = arith.addf %get3A_183, %mul3A_224 : vector<16xf32>
        %mul3A_226 = arith.mulf %gather3A_142, %mul3A_203 : vector<16xf32>
        %mul3A_227 = arith.mulf %gather3A_146, %mul3A_197 : vector<16xf32>
        %sub3A_228 = arith.subf %mul3A_226, %mul3A_227 : vector<16xf32>
        %add3A_229 = arith.addf %add3A_225, %sub3A_228 : vector<16xf32>
        %add3A_230 = arith.addf %add3A_229, %gather3A_162 : vector<16xf32>
        %neg3A = arith.constant 0.000000e+00 : f32
        %neg3A_231 = vector.broadcast %neg3A : f32 to vector<16xf32>
        %neg3A_232 = arith.subf %neg3A_231, %add3A_216 : vector<16xf32>
        %div3A = arith.divf %neg3A_232, %add3A_230 : vector<16xf32>
        %neg3A_233 = arith.constant 0.000000e+00 : f32
        %neg3A_234 = vector.broadcast %neg3A_233 : f32 to vector<16xf32>
        %neg3A_235 = arith.subf %neg3A_234, %add3A_223 : vector<16xf32>
        %div3A_236 = arith.divf %neg3A_235, %add3A_230 : vector<16xf32>
        %mul3A_237 = arith.mulf %div3A, %div3A : vector<16xf32>
        %mul3A_238 = arith.mulf %div3A_236, %div3A_236 : vector<16xf32>
        %add3A_239 = arith.addf %mul3A_237, %mul3A_238 : vector<16xf32>
        %mul3A_240 = arith.mulf %gather3A_171, %add3A_239 : vector<16xf32>
        %add3A_241 = arith.addf %gather3A_167, %mul3A_240 : vector<16xf32>
        %mul3A_242 = arith.mulf %add3A_239, %add3A_241 : vector<16xf32>
        %add3A_243 = arith.constant 1.000000e+00 : f32
        %add3A_244 = vector.broadcast %add3A_243 : f32 to vector<16xf32>
        %add3A_245 = arith.addf %add3A_244, %mul3A_242 : vector<16xf32>
        %mul3A_246 = arith.mulf %gather3A_163, %add3A_245 : vector<16xf32>
        %mul3A_247 = arith.mulf %mul3A_246, %div3A : vector<16xf32>
        %sub3A_248 = arith.subf %mul3A_247, %gather3A_188 : vector<16xf32>
        tpu.vector_store_idx %arg23[%add3A_187], %sub3A_248 : memref<1024xf32, #tpu.memory_space<vmem>>[vector<16xi32>], vector<16xf32>,
        %add3A_249 = arith.constant 1 : i32
        %add3A_250 = vector.broadcast %add3A_249 : i32 to vector<16xi32>
        %add3A_251 = arith.addi %add3A_187, %add3A_250 : vector<16xi32>
        %mul3A_252 = arith.mulf %mul3A_246, %div3A_236 : vector<16xf32>
        %sub3A_253 = arith.subf %mul3A_252, %gather3A_192 : vector<16xf32>
        tpu.vector_store_idx %arg23[%add3A_251], %sub3A_253 : memref<1024xf32, #tpu.memory_space<vmem>>[vector<16xi32>], vector<16xf32>,
      }
      %scan3A_100 = arith.constant 8 : i32
      %scan3A_101 = arith.constant 0 : i32
      %scan3A_102 = arith.constant 0 : i32
      %scan3A_103 = arith.constant 8 : i32
      %scan3A_104 = arith.addi %scan3A_102, %scan3A_103 : i32
      %scan3A_105 = arith.constant 1 : i32
      scf.for %scan3A_127 = %scan3A_102 to %scan3A_104 step %scan3A_105  : i32 {
        %mul3A_128 = arith.constant 16 : i32
        %mul3A_129 = arith.muli %scan3A_127, %mul3A_128 : i32
        %get3A = arith.index_cast %mul3A_129 : i32 to index
        %get3A_130 = tpu.vector_load %arg15[%get3A] {strides = array<i32>} : memref<128xi32, #tpu.memory_space<vmem>>, vector<16xi32>,
        %mul3A_131 = arith.constant 3 : i32
        %mul3A_132 = vector.broadcast %mul3A_131 : i32 to vector<16xi32>
        %mul3A_133 = arith.muli %get3A_130, %mul3A_132 : vector<16xi32>
        %mul3A_134 = arith.constant 16 : i32
        %mul3A_135 = arith.muli %scan3A_127, %mul3A_134 : i32
        %swap3A = arith.index_cast %mul3A_135 : i32 to index
        %swap3A_136 = tpu.vector_load %arg17[%swap3A] {strides = array<i32>} : memref<128xi32, #tpu.memory_space<vmem>>, vector<16xi32>,
        tpu.vector_store %arg17[%swap3A], %mul3A_133 {strides = array<i32>} : memref<128xi32, #tpu.memory_space<vmem>>, vector<16xi32>,
        %add3A_137 = arith.constant 1 : i32
        %add3A_138 = vector.broadcast %add3A_137 : i32 to vector<16xi32>
        %add3A_139 = arith.addi %mul3A_133, %add3A_138 : vector<16xi32>
        %mul3A_140 = arith.constant 16 : i32
        %mul3A_141 = arith.muli %scan3A_127, %mul3A_140 : i32
        %swap3A_142 = arith.index_cast %mul3A_141 : i32 to index
        %swap3A_143 = tpu.vector_load %arg18[%swap3A_142] {strides = array<i32>} : memref<128xi32, #tpu.memory_space<vmem>>, vector<16xi32>,
        tpu.vector_store %arg18[%swap3A_142], %add3A_139 {strides = array<i32>} : memref<128xi32, #tpu.memory_space<vmem>>, vector<16xi32>,
        %add3A_144 = arith.constant 2 : i32
        %add3A_145 = vector.broadcast %add3A_144 : i32 to vector<16xi32>
        %add3A_146 = arith.addi %mul3A_133, %add3A_145 : vector<16xi32>
        %mul3A_147 = arith.constant 16 : i32
        %mul3A_148 = arith.muli %scan3A_127, %mul3A_147 : i32
        %swap3A_149 = arith.index_cast %mul3A_148 : i32 to index
        %swap3A_150 = tpu.vector_load %arg19[%swap3A_149] {strides = array<i32>} : memref<128xi32, #tpu.memory_space<vmem>>, vector<16xi32>,
        tpu.vector_store %arg19[%swap3A_149], %add3A_146 {strides = array<i32>} : memref<128xi32, #tpu.memory_space<vmem>>, vector<16xi32>,
      }
      %scan3A_106 = arith.constant 8 : i32
      %dma_start3A_107 = arith.constant 0 : i32
      %dma_start3A_108 = tpu.memref_slice %arg7[%dma_start3A_107] : memref<600000xf32, #tpu.memory_space<hbm>> -> memref<600000xf32, #tpu.memory_space<hbm>>
      tpu.enqueue_indirect_dma source(%dma_start3A_108 : memref<600000xf32, #tpu.memory_space<hbm>>) target(%arg20 : memref<128xf32, #tpu.memory_space<vmem>>) offsets(%arg17 : memref<128xi32, #tpu.memory_space<vmem>>) semaphore(%arg24 : memref<!tpu.dma_semaphore, #tpu.memory_space<semaphore_mem>>)
      %dma_wait3A_109 = arith.constant 0 : i32
      %dma_wait3A_110 = tpu.memref_slice %arg7[%dma_wait3A_109] : memref<600000xf32, #tpu.memory_space<hbm>> -> memref<600000xf32, #tpu.memory_space<hbm>>
      tpu.wait_indirect_dma semaphore(%arg24 : memref<!tpu.dma_semaphore, #tpu.memory_space<semaphore_mem>>) src(%dma_wait3A_110 : memref<600000xf32, #tpu.memory_space<hbm>>) dst(%arg20 : memref<128xf32, #tpu.memory_space<vmem>>)
      %dma_start3A_111 = arith.constant 0 : i32
      %dma_start3A_112 = tpu.memref_slice %arg7[%dma_start3A_111] : memref<600000xf32, #tpu.memory_space<hbm>> -> memref<600000xf32, #tpu.memory_space<hbm>>
      tpu.enqueue_indirect_dma source(%dma_start3A_112 : memref<600000xf32, #tpu.memory_space<hbm>>) target(%arg21 : memref<128xf32, #tpu.memory_space<vmem>>) offsets(%arg18 : memref<128xi32, #tpu.memory_space<vmem>>) semaphore(%arg24 : memref<!tpu.dma_semaphore, #tpu.memory_space<semaphore_mem>>)
      %dma_wait3A_113 = arith.constant 0 : i32
      %dma_wait3A_114 = tpu.memref_slice %arg7[%dma_wait3A_113] : memref<600000xf32, #tpu.memory_space<hbm>> -> memref<600000xf32, #tpu.memory_space<hbm>>
      tpu.wait_indirect_dma semaphore(%arg24 : memref<!tpu.dma_semaphore, #tpu.memory_space<semaphore_mem>>) src(%dma_wait3A_114 : memref<600000xf32, #tpu.memory_space<hbm>>) dst(%arg21 : memref<128xf32, #tpu.memory_space<vmem>>)
      %dma_start3A_115 = arith.constant 0 : i32
      %dma_start3A_116 = tpu.memref_slice %arg7[%dma_start3A_115] : memref<600000xf32, #tpu.memory_space<hbm>> -> memref<600000xf32, #tpu.memory_space<hbm>>
      tpu.enqueue_indirect_dma source(%dma_start3A_116 : memref<600000xf32, #tpu.memory_space<hbm>>) target(%arg22 : memref<128xf32, #tpu.memory_space<vmem>>) offsets(%arg19 : memref<128xi32, #tpu.memory_space<vmem>>) semaphore(%arg24 : memref<!tpu.dma_semaphore, #tpu.memory_space<semaphore_mem>>)
      %dma_wait3A_117 = arith.constant 0 : i32
      %dma_wait3A_118 = tpu.memref_slice %arg7[%dma_wait3A_117] : memref<600000xf32, #tpu.memory_space<hbm>> -> memref<600000xf32, #tpu.memory_space<hbm>>
      tpu.wait_indirect_dma semaphore(%arg24 : memref<!tpu.dma_semaphore, #tpu.memory_space<semaphore_mem>>) src(%dma_wait3A_118 : memref<600000xf32, #tpu.memory_space<hbm>>) dst(%arg22 : memref<128xf32, #tpu.memory_space<vmem>>)
      %scan3A_119 = arith.constant 0 : i32
      %scan3A_120 = arith.constant 0 : i32
      %scan3A_121 = arith.constant 8 : i32
      %scan3A_122 = arith.addi %scan3A_120, %scan3A_121 : i32
      %scan3A_123 = arith.constant 1 : i32
      scf.for %scan3A_127 = %scan3A_120 to %scan3A_122 step %scan3A_123  : i32 {
        %mul3A_128 = arith.constant 16 : i32
        %mul3A_129 = arith.muli %scan3A_127, %mul3A_128 : i32
        %add3A_130 = arith.constant 384 : i32
        %add3A_131 = arith.addi %add3A_130, %mul3A_129 : i32
        %get3A = arith.index_cast %add3A_131 : i32 to index
        %get3A_132 = tpu.vector_load %arg11[%get3A] {strides = array<i32>} : memref<512xi32, #tpu.memory_space<vmem>>, vector<16xi32>,
        %mul3A_133 = arith.constant 7 : i32
        %mul3A_134 = vector.broadcast %mul3A_133 : i32 to vector<16xi32>
        %mul3A_135 = arith.muli %get3A_132, %mul3A_134 : vector<16xi32>
        %mul3A_136 = arith.constant 3 : i32
        %mul3A_137 = vector.broadcast %mul3A_136 : i32 to vector<16xi32>
        %mul3A_138 = arith.muli %get3A_132, %mul3A_137 : vector<16xi32>
        %gather3A = tpu.vector_load_idx %arg9[%mul3A_135] : memref<14000xf32, #tpu.memory_space<vmem>>[vector<16xi32>], vector<16xf32>,
        %add3A_139 = arith.constant 1 : i32
        %add3A_140 = vector.broadcast %add3A_139 : i32 to vector<16xi32>
        %add3A_141 = arith.addi %mul3A_135, %add3A_140 : vector<16xi32>
        %gather3A_142 = tpu.vector_load_idx %arg9[%add3A_141] : memref<14000xf32, #tpu.memory_space<vmem>>[vector<16xi32>], vector<16xf32>,
        %add3A_143 = arith.constant 2 : i32
        %add3A_144 = vector.broadcast %add3A_143 : i32 to vector<16xi32>
        %add3A_145 = arith.addi %mul3A_135, %add3A_144 : vector<16xi32>
        %gather3A_146 = tpu.vector_load_idx %arg9[%add3A_145] : memref<14000xf32, #tpu.memory_space<vmem>>[vector<16xi32>], vector<16xf32>,
        %add3A_147 = arith.constant 3 : i32
        %add3A_148 = vector.broadcast %add3A_147 : i32 to vector<16xi32>
        %add3A_149 = arith.addi %mul3A_135, %add3A_148 : vector<16xi32>
        %gather3A_150 = tpu.vector_load_idx %arg9[%add3A_149] : memref<14000xf32, #tpu.memory_space<vmem>>[vector<16xi32>], vector<16xf32>,
        %add3A_151 = arith.constant 4 : i32
        %add3A_152 = vector.broadcast %add3A_151 : i32 to vector<16xi32>
        %add3A_153 = arith.addi %mul3A_135, %add3A_152 : vector<16xi32>
        %gather3A_154 = tpu.vector_load_idx %arg9[%add3A_153] : memref<14000xf32, #tpu.memory_space<vmem>>[vector<16xi32>], vector<16xf32>,
        %add3A_155 = arith.constant 5 : i32
        %add3A_156 = vector.broadcast %add3A_155 : i32 to vector<16xi32>
        %add3A_157 = arith.addi %mul3A_135, %add3A_156 : vector<16xi32>
        %gather3A_158 = tpu.vector_load_idx %arg9[%add3A_157] : memref<14000xf32, #tpu.memory_space<vmem>>[vector<16xi32>], vector<16xf32>,
        %add3A_159 = arith.constant 6 : i32
        %add3A_160 = vector.broadcast %add3A_159 : i32 to vector<16xi32>
        %add3A_161 = arith.addi %mul3A_135, %add3A_160 : vector<16xi32>
        %gather3A_162 = tpu.vector_load_idx %arg9[%add3A_161] : memref<14000xf32, #tpu.memory_space<vmem>>[vector<16xi32>], vector<16xf32>,
        %gather3A_163 = tpu.vector_load_idx %arg10[%mul3A_138] : memref<6000xf32, #tpu.memory_space<vmem>>[vector<16xi32>], vector<16xf32>,
        %add3A_164 = arith.constant 1 : i32
        %add3A_165 = vector.broadcast %add3A_164 : i32 to vector<16xi32>
        %add3A_166 = arith.addi %mul3A_138, %add3A_165 : vector<16xi32>
        %gather3A_167 = tpu.vector_load_idx %arg10[%add3A_166] : memref<6000xf32, #tpu.memory_space<vmem>>[vector<16xi32>], vector<16xf32>,
        %add3A_168 = arith.constant 2 : i32
        %add3A_169 = vector.broadcast %add3A_168 : i32 to vector<16xi32>
        %add3A_170 = arith.addi %mul3A_138, %add3A_169 : vector<16xi32>
        %gather3A_171 = tpu.vector_load_idx %arg10[%add3A_170] : memref<6000xf32, #tpu.memory_space<vmem>>[vector<16xi32>], vector<16xf32>,
        %mul3A_172 = arith.constant 16 : i32
        %mul3A_173 = arith.muli %scan3A_127, %mul3A_172 : i32
        %get3A_174 = arith.index_cast %mul3A_173 : i32 to index
        %get3A_175 = tpu.vector_load %arg20[%get3A_174] {strides = array<i32>} : memref<128xf32, #tpu.memory_space<vmem>>, vector<16xf32>,
        %mul3A_176 = arith.constant 16 : i32
        %mul3A_177 = arith.muli %scan3A_127, %mul3A_176 : i32
        %get3A_178 = arith.index_cast %mul3A_177 : i32 to index
        %get3A_179 = tpu.vector_load %arg21[%get3A_178] {strides = array<i32>} : memref<128xf32, #tpu.memory_space<vmem>>, vector<16xf32>,
        %mul3A_180 = arith.constant 16 : i32
        %mul3A_181 = arith.muli %scan3A_127, %mul3A_180 : i32
        %get3A_182 = arith.index_cast %mul3A_181 : i32 to index
        %get3A_183 = tpu.vector_load %arg22[%get3A_182] {strides = array<i32>} : memref<128xf32, #tpu.memory_space<vmem>>, vector<16xf32>,
        %mul3A_184 = arith.constant 2 : i32
        %mul3A_185 = arith.muli %mul3A_184, %add3A_131 : i32
        %add3A_186 = vector.broadcast %mul3A_185 : i32 to vector<16xi32>
        %add3A_187 = arith.addi %mul3A_3, %add3A_186 : vector<16xi32>
        %gather3A_188 = tpu.vector_load_idx %arg16[%add3A_187] : memref<1024xf32, #tpu.memory_space<vmem>>[vector<16xi32>], vector<16xf32>,
        %add3A_189 = arith.constant 1 : i32
        %add3A_190 = vector.broadcast %add3A_189 : i32 to vector<16xi32>
        %add3A_191 = arith.addi %add3A_187, %add3A_190 : vector<16xi32>
        %gather3A_192 = tpu.vector_load_idx %arg16[%add3A_191] : memref<1024xf32, #tpu.memory_space<vmem>>[vector<16xi32>], vector<16xf32>,
        %mul3A_193 = arith.mulf %gather3A_146, %get3A_183 : vector<16xf32>
        %mul3A_194 = arith.mulf %gather3A_150, %get3A_179 : vector<16xf32>
        %sub3A = arith.subf %mul3A_193, %mul3A_194 : vector<16xf32>
        %mul3A_195 = arith.constant 2.000000e+00 : f32
        %mul3A_196 = vector.broadcast %mul3A_195 : f32 to vector<16xf32>
        %mul3A_197 = arith.mulf %mul3A_196, %sub3A : vector<16xf32>
        %mul3A_198 = arith.mulf %gather3A_150, %get3A_175 : vector<16xf32>
        %mul3A_199 = arith.mulf %gather3A_142, %get3A_183 : vector<16xf32>
        %sub3A_200 = arith.subf %mul3A_198, %mul3A_199 : vector<16xf32>
        %mul3A_201 = arith.constant 2.000000e+00 : f32
        %mul3A_202 = vector.broadcast %mul3A_201 : f32 to vector<16xf32>
        %mul3A_203 = arith.mulf %mul3A_202, %sub3A_200 : vector<16xf32>
        %mul3A_204 = arith.mulf %gather3A_142, %get3A_179 : vector<16xf32>
        %mul3A_205 = arith.mulf %gather3A_146, %get3A_175 : vector<16xf32>
        %sub3A_206 = arith.subf %mul3A_204, %mul3A_205 : vector<16xf32>
        %mul3A_207 = arith.constant 2.000000e+00 : f32
        %mul3A_208 = vector.broadcast %mul3A_207 : f32 to vector<16xf32>
        %mul3A_209 = arith.mulf %mul3A_208, %sub3A_206 : vector<16xf32>
        %mul3A_210 = arith.mulf %gather3A, %mul3A_197 : vector<16xf32>
        %add3A_211 = arith.addf %get3A_175, %mul3A_210 : vector<16xf32>
        %mul3A_212 = arith.mulf %gather3A_146, %mul3A_209 : vector<16xf32>
        %mul3A_213 = arith.mulf %gather3A_150, %mul3A_203 : vector<16xf32>
        %sub3A_214 = arith.subf %mul3A_212, %mul3A_213 : vector<16xf32>
        %add3A_215 = arith.addf %add3A_211, %sub3A_214 : vector<16xf32>
        %add3A_216 = arith.addf %add3A_215, %gather3A_154 : vector<16xf32>
        %mul3A_217 = arith.mulf %gather3A, %mul3A_203 : vector<16xf32>
        %add3A_218 = arith.addf %get3A_179, %mul3A_217 : vector<16xf32>
        %mul3A_219 = arith.mulf %gather3A_150, %mul3A_197 : vector<16xf32>
        %mul3A_220 = arith.mulf %gather3A_142, %mul3A_209 : vector<16xf32>
        %sub3A_221 = arith.subf %mul3A_219, %mul3A_220 : vector<16xf32>
        %add3A_222 = arith.addf %add3A_218, %sub3A_221 : vector<16xf32>
        %add3A_223 = arith.addf %add3A_222, %gather3A_158 : vector<16xf32>
        %mul3A_224 = arith.mulf %gather3A, %mul3A_209 : vector<16xf32>
        %add3A_225 = arith.addf %get3A_183, %mul3A_224 : vector<16xf32>
        %mul3A_226 = arith.mulf %gather3A_142, %mul3A_203 : vector<16xf32>
        %mul3A_227 = arith.mulf %gather3A_146, %mul3A_197 : vector<16xf32>
        %sub3A_228 = arith.subf %mul3A_226, %mul3A_227 : vector<16xf32>
        %add3A_229 = arith.addf %add3A_225, %sub3A_228 : vector<16xf32>
        %add3A_230 = arith.addf %add3A_229, %gather3A_162 : vector<16xf32>
        %neg3A = arith.constant 0.000000e+00 : f32
        %neg3A_231 = vector.broadcast %neg3A : f32 to vector<16xf32>
        %neg3A_232 = arith.subf %neg3A_231, %add3A_216 : vector<16xf32>
        %div3A = arith.divf %neg3A_232, %add3A_230 : vector<16xf32>
        %neg3A_233 = arith.constant 0.000000e+00 : f32
        %neg3A_234 = vector.broadcast %neg3A_233 : f32 to vector<16xf32>
        %neg3A_235 = arith.subf %neg3A_234, %add3A_223 : vector<16xf32>
        %div3A_236 = arith.divf %neg3A_235, %add3A_230 : vector<16xf32>
        %mul3A_237 = arith.mulf %div3A, %div3A : vector<16xf32>
        %mul3A_238 = arith.mulf %div3A_236, %div3A_236 : vector<16xf32>
        %add3A_239 = arith.addf %mul3A_237, %mul3A_238 : vector<16xf32>
        %mul3A_240 = arith.mulf %gather3A_171, %add3A_239 : vector<16xf32>
        %add3A_241 = arith.addf %gather3A_167, %mul3A_240 : vector<16xf32>
        %mul3A_242 = arith.mulf %add3A_239, %add3A_241 : vector<16xf32>
        %add3A_243 = arith.constant 1.000000e+00 : f32
        %add3A_244 = vector.broadcast %add3A_243 : f32 to vector<16xf32>
        %add3A_245 = arith.addf %add3A_244, %mul3A_242 : vector<16xf32>
        %mul3A_246 = arith.mulf %gather3A_163, %add3A_245 : vector<16xf32>
        %mul3A_247 = arith.mulf %mul3A_246, %div3A : vector<16xf32>
        %sub3A_248 = arith.subf %mul3A_247, %gather3A_188 : vector<16xf32>
        tpu.vector_store_idx %arg23[%add3A_187], %sub3A_248 : memref<1024xf32, #tpu.memory_space<vmem>>[vector<16xi32>], vector<16xf32>,
        %add3A_249 = arith.constant 1 : i32
        %add3A_250 = vector.broadcast %add3A_249 : i32 to vector<16xi32>
        %add3A_251 = arith.addi %add3A_187, %add3A_250 : vector<16xi32>
        %mul3A_252 = arith.mulf %mul3A_246, %div3A_236 : vector<16xf32>
        %sub3A_253 = arith.subf %mul3A_252, %gather3A_192 : vector<16xf32>
        tpu.vector_store_idx %arg23[%add3A_251], %sub3A_253 : memref<1024xf32, #tpu.memory_space<vmem>>[vector<16xi32>], vector<16xf32>,
      }
      %scan3A_124 = arith.constant 8 : i32
      %mul3A_125 = arith.constant 2 : i32
      %mul3A_126 = arith.muli %mul3A_125, %add3A_20 : i32
      "tpu.region"() ({
        %run_scoped3A = tpu.sem_alloc : memref<!tpu.dma_semaphore, #tpu.memory_space<semaphore_mem>>
        %dma_start3A_127 = tpu.memref_slice %arg8[%mul3A_126] : memref<2031616xf32, #tpu.memory_space<hbm>> -> memref<1024xf32, #tpu.memory_space<hbm>>
        %dma_start3A_128 = tpu.memref_slice %arg8[%mul3A_126] : memref<2031616xf32, #tpu.memory_space<hbm>> -> memref<1024xf32, #tpu.memory_space<hbm>>
        tpu.enqueue_dma source(%arg23 : memref<1024xf32, #tpu.memory_space<vmem>>) target(%dma_start3A_128 : memref<1024xf32, #tpu.memory_space<hbm>>) target_semaphore(%run_scoped3A : memref<!tpu.dma_semaphore, #tpu.memory_space<semaphore_mem>>)
        %dma_wait3A_129 = tpu.memref_slice %arg8[%mul3A_126] : memref<2031616xf32, #tpu.memory_space<hbm>> -> memref<1024xf32, #tpu.memory_space<hbm>>
        %dma_wait3A_130 = tpu.memref_slice %arg8[%mul3A_126] : memref<2031616xf32, #tpu.memory_space<hbm>> -> memref<1024xf32, #tpu.memory_space<hbm>>
        tpu.wait_dma2 semaphore(%run_scoped3A : memref<!tpu.dma_semaphore, #tpu.memory_space<semaphore_mem>>) src(%arg23 : memref<1024xf32, #tpu.memory_space<vmem>>) dst(%dma_wait3A_130 : memref<1024xf32, #tpu.memory_space<hbm>>)
        tpu.yield
      }) : () -> ()
    }
    %scan3A_14 = arith.constant 62 : i32
    return
  }
}

</mosaic_0001>

<sc_bundles>
// kernel: kernel.3.cloned.1.call-start
scs
__scs_entry_jumppad:
0x0: {  	(pc) =	sbr.rel $0x88, $3  }
0x1: {  	(tag) =	ssettag $0x0;
	lr =	simm.s32 $0x1  }
0x2: {  	[smem:$0x3F9B] =	sst lr;
	_ =	strace $0xD0000000  }
0x3: {  	_ = 	snop  }
0x4: {  	_ = 	snop  }
0x5: {  	_ = 	snop  }
0x6: {  	_ = 	snop  }
0x7: {  	_ = 	snop  }
__scs_overlays_trampoline_lowered:
0x8: {  	[smem:$0x3FAA] =	sst s0  }
0x9: {  	[smem:$0x3FAB] =	sst s1  }
0xa: {  	[smem:$0x3FAC] =	sst s2  }
0xb: {  	[smem:$0x3FAD] =	sst s3  }
0xc: {  	[smem:$0x3FAE] =	sst s4  }
0xd: {  	[smem:$0x3FAF] =	sst s5  }
0xe: {  	[smem:$0x3FB0] =	sst s6  }
0xf: {  	[smem:$0x3FB1] =	sst s7  }
0x10: {  	[smem:$0x3FB2] =	sst s8  }
0x11: {  	[smem:$0x3FB3] =	sst s9;
	s0 =	simm.s32 @!p0 $0x0  }
0x12: {  	s1 =	sld [smem:$0x3F99];
	s0 =	simm.s32 @p0 $0x1  }
0x13: {  	[smem:$0x3FB4] =	sst s0;
	s0 =	simm.s32 @!p1 $0x0  }
0x14: {  	s2 =	sld [smem:$0x3F98];
	s0 =	simm.s32 @p1 $0x1  }
0x15: {  	[smem:$0x3FB5] =	sst s0;
	s0 =	simm.s32 @!p2 $0x0  }
0x16: {  	s3 =	sld [smem:$0x3FDB];
	s0 =	simm.s32 @p2 $0x1  }
0x17: {  	s4 =	simm.s32 $0x1BF5;
	[smem:$0x3FB7] =	sst s0  }
0x18: {  	s0 =	sld [smem:$0x3F9A];
	_ =	swait.ge [sflag:s4], $0x0  }
0x19: {  	s7 =	sld [smem:$0x3F9B]  }
0x1a: {  	s8 =	sadd.s32 $0xFFFFE003, lr  }
0x1b: {  	s9 =	sadd.s32 $0xFFFFFEF7, lr;
	s5 =	simm.s32 $0xFFFFFFFF;
	p2 =	slt.u32 s8, $0xFFFFF086  }
0x1c: {  	p1 =	slt.u32 s9, $0xF7A;
	s5 =	simm.s32 @!p2 $0x0  }
0x1d: {  	s5 =	simm.s32 @p1 $0x1;
	p0 =	seq.s32 s7, s2  }
0x1e: {  	s7 =	smul.u32 @!p0 $0xF7A, s2;
	p2 =	seq.s32 @!p0 s5, $0x0  }
0x1f: {  	s9 =	smul.u32 $0xF7A, s1;
	s8 =	simm.s32 @!p0 $0x1BF5;
	p2 =	por !p2, p0  }
0x20: {  	[sflag:s8] =	ssyncset.s32 @!p0 $0xFFFFF086;
	s6 =	sadd.s32 @!p0 s3, s7;
	s7 =	simm.s32 @!p0 $0x108  }
0x21: {  	s3 =	sadd.s32 s3, s9;
	s6 =	sadd.s32 @!p0 $0x88, s6;
	s7 =	simm.s32 @p2 $0x1082  }
0x22: {  	[simem:s7], [sflag:s8] =	dma.local @!p0 [hbm:s6], $0xF7A  }
0x23: {  	s9 =	sor.u32 $0xD0000000, s2;
	s6 =	simm.s32 $0x108;
	_ =	swait.ge @!p0 [sflag:s8], $0x0  }
0x24: {  	s3 =	sadd.s32 $0x88, s3;
	s6 =	simm.s32 @!p1 $0x1082;
	[sflag:s4] =	ssyncset.s32 $0xFFFFF086  }
0x25: {  	[simem:s6], [sflag:s4] =	dma.local [hbm:s3], $0xF7A  }
0x26: {  	[smem:$0x3F9B] =	sst s1;
	(tag) =	ssettag s2;
	_ =	strace s9  }
0x27: {  	s1 =	sld [smem:$0x3FAB]  }
0x28: {  	s2 =	sld [smem:$0x3FAC]  }
0x29: {  	s4 =	sld [smem:$0x3FAE]  }
0x2a: {  	p0 =	seq.s32 s5, $0x0;
	s5 =	sld [smem:$0x3FAF]  }
0x2b: {  	s6 =	sld [smem:$0x3FB0]  }
0x2c: {  	s7 =	sld [smem:$0x3FB1]  }
0x2d: {  	s3 =	simm.s32 $0x108;
	s8 =	sld [smem:$0x3FB2]  }
0x2e: {  	s3 =	simm.s32 @!p0 $0x1082;
	s9 =	sld [smem:$0x3FB3]  }
0x2f: {  	lr =	sadd.s32 s0, s3;
	s0 =	sld [smem:$0x3FAA]  }
0x30: {  	s3 =	sld [smem:$0x3FAD]  }
0x31: {  	[smem:$0x3FB6] =	sst s10  }
0x32: {  	s10 =	sld [smem:$0x3FB4];
	_ =	sdelay $0x3  }
0x33: {  	p0 =	seq.s32 s10, $0x1;
	s10 =	sld [smem:$0x3FB6];
	_ =	sdelay $0x3  }
0x34: {  	[smem:$0x3FB6] =	sst s10  }
0x35: {  	s10 =	sld [smem:$0x3FB5];
	_ =	sdelay $0x3  }
0x36: {  	p1 =	seq.s32 s10, $0x1;
	s10 =	sld [smem:$0x3FB6];
	_ =	sdelay $0x3  }
0x37: {  	[smem:$0x3FB6] =	sst s10  }
0x38: {  	s10 =	sld [smem:$0x3FB7]  }
0x39: {  	_ = 	snop;
	(pc) =	sbr.ind lr, $3  }
0x3a: {  	_ = 	snop  }
0x3b: {  	_ = 	snop  }
0x3c: {  	p2 =	seq.s32 s10, $0x1;
	s10 =	sld [smem:$0x3FB6]  }
0x3d: {  	_ =	shalt  }
0x3e: {  	_ =	shalt  }
0x3f: {  	_ =	shalt  }
0x40: {  	_ =	shalt  }
0x41: {  	_ =	shalt  }
0x42: {  	_ =	shalt  }
0x43: {  	_ =	shalt  }
0x44: {  	_ =	shalt  }
0x45: {  	_ =	shalt  }
0x46: {  	_ =	shalt  }
0x47: {  	_ =	shalt  }
0x48: {  	_ =	shalt  }
0x49: {  	_ =	shalt  }
0x4a: {  	_ =	shalt  }
0x4b: {  	_ =	shalt  }
0x4c: {  	_ =	shalt  }
0x4d: {  	_ =	shalt  }
0x4e: {  	_ =	shalt  }
0x4f: {  	_ =	shalt  }
0x50: {  	_ =	shalt  }
0x51: {  	_ =	shalt  }
0x52: {  	_ =	shalt  }
0x53: {  	_ =	shalt  }
0x54: {  	_ =	shalt  }
0x55: {  	_ =	shalt  }
0x56: {  	_ =	shalt  }
0x57: {  	_ =	shalt  }
0x58: {  	_ =	shalt  }
0x59: {  	_ =	shalt  }
0x5a: {  	_ =	shalt  }
0x5b: {  	_ =	shalt  }
0x5c: {  	_ =	shalt  }
0x5d: {  	_ =	shalt  }
0x5e: {  	_ =	shalt  }
0x5f: {  	_ =	shalt  }
0x60: {  	_ =	shalt  }
0x61: {  	_ =	shalt  }
0x62: {  	_ =	shalt  }
0x63: {  	_ =	shalt  }
0x64: {  	_ =	shalt  }
0x65: {  	_ =	shalt  }
0x66: {  	_ =	shalt  }
0x67: {  	_ =	shalt  }
0x68: {  	_ =	shalt  }
0x69: {  	_ =	shalt  }
0x6a: {  	_ =	shalt  }
0x6b: {  	_ =	shalt  }
0x6c: {  	_ =	shalt  }
0x6d: {  	_ =	shalt  }
0x6e: {  	_ =	shalt  }
0x6f: {  	_ =	shalt  }
0x70: {  	_ =	shalt  }
0x71: {  	_ =	shalt  }
0x72: {  	_ =	shalt  }
0x73: {  	_ =	shalt  }
0x74: {  	_ =	shalt  }
0x75: {  	_ =	shalt  }
0x76: {  	_ =	shalt  }
0x77: {  	_ =	shalt  }
0x78: {  	_ =	shalt  }
0x79: {  	_ =	shalt  }
0x7a: {  	_ =	shalt  }
0x7b: {  	_ =	shalt  }
0x7c: {  	_ =	shalt  }
0x7d: {  	_ =	shalt  }
0x7e: {  	_ =	shalt  }
0x7f: {  	_ =	shalt  }
0x80: {  	_ =	shalt  }
0x81: {  	_ =	shalt  }
0x82: {  	_ =	shalt  }
0x83: {  	_ =	shalt  }
0x84: {  	_ =	shalt  }
0x85: {  	_ =	shalt  }
0x86: {  	_ =	shalt  }
0x87: {  	_ =	shalt  }
.Lfunc_end0:
.L_simem_size_0:
called_computation_lowered:
.L_overlay_start_0:
0x88: {  	s2 =	sld [smem:$0x3FD9]  }
0x89: {  	s3 =	sld [smem:$0x3FFE];
	_ =	sdelay $0x1  }
0x8a: {  	s1 =	srdreg.scid  }
0x8b: {  	s0 =	sand.u32 $0x1, s1  }
0x8c: {  	s17 =	sshll.u32 s0, $0xA;
	s2 =	sadd.s32 s3, s2  }
0x8d: {  	s2 =	sadd.s32 s2, s17  }
0x8e: {  	[smem:$0x3FC2] =	sst s2  }
0x8f: {  	_ = 	snop  }
0x90: {  	s2 =	sld [smem:$0x3FD0];
	(tm) =	ssettm $0x1  }
0x91: {  	s18 =	sld [smem:$0x3FFB];
	_ =	sdelay $0x3  }
0x92: {  	_ =	strace s18  }
0x93: {  	s3 =	sld [smem:$0x3FFC];
	_ =	sdelay $0x3  }
0x94: {  	_ =	strace s3  }
0x95: {  	s3 =	sld [smem:$0x3FFD];
	_ =	sdelay $0x3  }
0x96: {  	_ =	strace s3  }
0x97: {  	_ =	strace $0x8FFFFFFF  }
0x98: {  	s19 =	sld [smem:$0x3FDB];
	_ =	sdelay $0x1  }
0x99: {  	s4 =	simm.s32 $_scs_section_size  }
0x9a: {  	s5 =	simm.s32 $_size__tile_overlayer_lowered;
	s6 =	simm.s32 $_tile_overlayer_lowered  }
0x9b: {  	s22 =	simm.s32 $0x1BFF;
	s21 =	sshll.u32 s6, $0x1;
	s3 =	sadd.s32 s4, s19  }
0x9c: {  	s7 =	simm.s32 $0x0;
	s20 =	sshll.u32 s5, $0x1;
	s5 =	sadd.s32 s21, s3  }
0x9d: {  	[timem:s7], [sflag:s22] =	dma.local [hbm:s5], s20  }
0x9e: {  	_ =	swait.ge [sflag:s22], s20  }
0x9f: {  	s4 =	ssub.s32 $0x0, s20;
	[sflag:s22] =	ssyncset.done $0x0  }
0xa0: {  	[sflag:s22] =	ssyncadd.s32 s4;
	_ =	sdelay $0x1  }
0xa1: {  	s23 =	simm.s32 $0x1B8B  }
0xa2: {  	_ =	swait.ge [sflag:s23], $0x1  }
0xa3: {  	[sflag:s23] =	ssyncset.done $0x0  }
0xa4: {  	s25 =	simm.s32 $0x1B8E;
	s24 =	sld [smem:$0x3FFE];
	[sflag:s23] =	ssyncadd.s32 $0xFFFFFFFF  }
0xa5: {  	s26 =	simm.s32 $execute0_lowered;
	[smem:$0x3FD2] =	sst s25  }
0xa6: {  	s5 =	sshll.u32 s26, $0x1;
	_ =	strace $0x80000046;
	[dreg:$0x1] =	wrdreg $0xFFFFFFFF  }
0xa7: {  	s28 =	simm.s32 $_size_execute0_lowered;
	s3 =	sadd.s32 s3, s5;
	[dreg:$0x0] =	wrdreg $0x0  }
0xa8: {  	s5 =	sshll.u32 s28, $0x1;
	[dreg:$0x2] =	wrdreg s3  }
0xa9: {  	[dreg:$0x3] =	wrdreg s5  }
0xaa: {  	[dreg:$0x4] =	wrdreg $0xC0  }
0xab: {  	_ =	task [dreg:s7], $0x5FFFF  }
0xac: {  	[dreg:$0x1] =	wrdreg $0xFFFFFFFF  }
0xad: {  	[dreg:$0x0] =	wrdreg $0x60  }
0xae: {  	[dreg:$0x2] =	wrdreg s24  }
0xaf: {  	[dreg:$0x3] =	wrdreg s2  }
0xb0: {  	[dreg:$0x4] =	wrdreg $0x9  }
0xb1: {  	_ =	task.clear_ibuf [dreg:s7], $0x5FFFF;
	_ =	strace $0x90000046  }
0xb2: {  	s29 =	simm.s32 $0x9;
	_ =	strace $0x80000048  }
0xb3: {  	_ =	swait.ge [sflag:s29], $0x1  }
0xb4: {  	[sflag:s29] =	ssyncadd.s32 $0xFFFFFFFF  }
0xb5: {  	_ =	strace $0x90000048  }
0xb6: {  	_ =	sfence  }
0xb7: {  	s30 =	sld [smem:$0x0];
	_ =	sdelay $0x2  }
0xb8: {  	s31 =	sshll.u32 s1, $0xD;
	s1 =	sshrl.u32 s1, $0x2  }
0xb9: {  	s3 =	sand.u32 $0x4000, s31;
	s1 =	sadd.s32 s1, s30  }
0xba: {  	s0 =	sor.u32 s3, s0;
	s1 =	sshll.u32 s1, $0x11  }
0xbb: {  	s0 =	sor.u32 s1, s0  }
0xbc: {  	s0 =	sadd.s32 $0x8F2B, s0  }
0xbd: {  	[sflag:s0] =	ssyncadd.remote.s32 $0x1  }
0xbe: {  	_ =	sfence.sel $0xFFFF  }
0xbf: {  	[dreg:$0x0] =	wrdreg $0xFFFFFFFF;
	(pc) =	sbr.abs _section_cstart, $3  }
0xc0: {  	[dreg:$0x1] =	wrdreg $0xFFFFFFFF  }
0xc1: {  	_ =	task.clear_ibuf [dreg:s7], $0x2FFFF;
	_ =	strace $0x9FFFFFFF  }
0xc2: {  	(tm) =	ssettm $0x7FFFFFFF  }
0xc3: {  	_ =	shalt  }
tec
execute0_lowered:
.L_overlay_start_1:
0x0: {  	(tag) =	ssettag $0x1  }
0x1: {  	s0 =	rddreg [dreg:$0x0]  }
0x2: {  	s2 =	simm.s32 $0x0;
	s1 =	srdreg.scid;
	s6 =	stileid.u32  }
0x3: {  	s15 =	simm.s32 $0x2;
	s16 =	simm.s32 $0x36B0;
	s20 =	simm.s32 $0x51A0  }
0x4: {  	s21 =	simm.s32 $0x5220;
	s22 =	simm.s32 $0x80;
	s23 =	simm.s32 $0x5620  }
0x5: {  	s24 =	simm.s32 $0x1;
	s25 =	simm.s32 $0x56A0;
	s26 =	simm.s32 $0x5720  }
0x6: {  	v0 =	vimm.s32 $0x12345670;
	s28 =	simm.s32 $0x5920;
	[smem:$0x7FF] =	sst s2;
	s4 =	sadd.s32 $0xE00, s0  }
0x7: {  	v4 =	vlaneseq.u32;
	v2 =	vimm.s32 $0x23456701;
	v5 =	vimm.s32 $0x34567012;
	s5 =	sadd.s32 $0x3EE00, s0;
	s3 =	sadd.s32 $0x5DE00, s0;
	s1 =	sand.u32 $0x1, s1  }
0x8: {  	s29 =	sadd.s32 $0x5E600, s0;
	s6 =	sshll.u32 s6, $0x1;
	s8 =	sadd.s32 $0x34C200, s0;
	v1 =	vunpack.c.l.s4.s8 v0;
	v0 =	vmul.u32 $0x7, v4;
	v3 =	vunpack.c.l.s4.s8 v2  }
0x9: {  	s9 =	sadd.s32 $0x5EA00, s0;
	s11 =	sadd.s32 $0x3EE10, s0;
	v6 =	vunpack.c.l.s4.s8 v5;
	v5 =	vimm.s32 $0x45670123;
	v7 =	vand.u32 $0x3, v4;
	s30 =	ssub.s32 $0x2, s1  }
0xa: {  	s12 =	sadd.s32 $0x3EE20, s0;
	s13 =	sadd.s32 $0x3EE30, s0;
	v4 =	vmul.u32 $0x2, v4;
	v8 =	vunpack.c.l.s4.s8 v5;
	v9 =	vmul.u32 $0x2, v7;
	s7 =	sshrl.u32 s30, $0x1  }
0xb: {  	_ =	strace $0x80000047;
	[dreg:$0x3] =	wrdreg s3;
	v1 =	vunpack.c.0.s8.s32 v1;
	v2 =	vadd.s32 $0x1, v0;
	v3 =	vunpack.c.0.s8.s32 v3;
	s3 =	ssub.s32 s30, s7  }
0xc: {  	[dreg:$0x4] =	wrdreg s29;
	s1 =	sor.u32 s1, s6;
	v5 =	vadd.s32 $0x2, v0;
	v6 =	vunpack.c.0.s8.s32 v6;
	v7 =	vadd.s32 $0x3, v0;
	s31 =	smax.u32 s3, $0x1  }
0xd: {  	s10 =	smul.u32 $0x7C00, s1;
	v10 =	vor.u32 $0x1, v4;
	s1 =	simm.s32 $0x0;
	v8 =	vunpack.c.0.s8.s32 v8;
	v9 =	vor.u32 $0xFFFFFFF8, v9;
	[dreg:$0x5] =	wrdreg s31  }
.LBB2_1:
0xe: {  	v11 =	vmov s2  }
0xf: {  	v11 =	vmul.u32 $0x7, v11  }
0x10: {  	[dreg:$0x6] =	wrdreg s1  }
0x11: {  	s0 =	rddreg [dreg:$0x3];
	v13 =	vbroadcast v11, $0x0  }
0x12: {  	[tilespmem:s2], [sflag:$0x2] =	stream.linear.gather [hbm4b:s0+s2], $0x36B0, $0x38;
	[tilespmem:$0x5D20] =	vst v63  }
0x13: {  	_ =	swait.ge [sflag:s15], $0x36B0;
	v11 =	vadd.s32 v0, v13  }
0x14: {  	[sflag:s15] =	ssyncset.done $0x0;
	v12 =	vadd.s32 v2, v13;
	v11 =	vand.u32 $0xFFFFFFF8, v11  }
0x15: {  	s29 =	rddreg [dreg:$0x4];
	[sflag:s15] =	ssyncadd.s32 $0xFFFFC950;
	v12 =	vand.u32 $0xFFFFFFF8, v12;
	v11 =	vor.u32 v1, v11  }
0x16: {  	[tilespmem:s16], [sflag:$0x2] =	stream.linear.gather [hbm4b:s29+s2], $0x1770, $0x38;
	v14 =	vadd.s32 v5, v13;
	v12 =	vor.u32 v3, v12;
	[tilespmem:$0x5D20] =	vst v63  }
0x17: {  	_ =	swait.ge [sflag:s15], $0x1770;
	v14 =	vand.u32 $0xFFFFFFF8, v14  }
0x18: {  	v15 =	vadd.s32 v7, v13;
	[sflag:s15] =	ssyncset.done $0x0;
	v13 =	vor.u32 v6, v14  }
0x19: {  	v14 =	vand.u32 $0xFFFFFFF8, v15;
	[sflag:s15] =	ssyncadd.s32 $0xFFFFE890  }
0x1a: {  	v14 =	vor.u32 v8, v14;
	v18 =	vld.idx.msk [tilespmem:v11+s2+$0x0], $0xffff  }
0x1b: {  	v19 =	vld.idx.msk [tilespmem:v12+s2+$0x0], $0xffff;
	_ =	sdelay $0x1  }
0x1c: {  	v21 =	vld.idx.msk [tilespmem:v13+s2+$0x0], $0xffff;
	_ =	sdelay $0x1  }
0x1d: {  	v23 =	vld.idx.msk [tilespmem:v14+s2+$0x0], $0xffff  }
0x1e: {  	v15 =	vmul.f32 v18, v18;
	v16 =	vmul.f32 v19, v19;
	_ =	sdelay $0x1  }
0x1f: {  	v15 =	vadd.f32 v16, v15;
	v16 =	vmul.f32 v21, v21;
	_ =	sdelay $0x1  }
0x20: {  	v15 =	vadd.f32 v16, v15;
	v16 =	vmul.f32 v23, v23;
	_ =	sdelay $0x1  }
0x21: {  	v15 =	vadd.f32 v16, v15;
	_ =	sdelay $0x1  }
0x22: {  	v16 =	vshrl.u32 v15, $0x1;
	v15 =	vmul.f32 $5.000000000e-01, v15  }
0x23: {  	v16 =	vsub.s32 $0x5F3759DF, v16  }
0x24: {  	v17 =	vmul.f32 v16, v15;
	_ =	sdelay $0x1  }
0x25: {  	v17 =	vmul.f32 v16, v17;
	_ =	sdelay $0x1  }
0x26: {  	v17 =	vsub.f32 $1.500000000e+00, v17;
	_ =	sdelay $0x1  }
0x27: {  	v16 =	vmul.f32 v16, v17;
	_ =	sdelay $0x1  }
0x28: {  	v17 =	vmul.f32 v16, v15;
	_ =	sdelay $0x1  }
0x29: {  	v17 =	vmul.f32 v17, v16;
	_ =	sdelay $0x1  }
0x2a: {  	v17 =	vsub.f32 $1.500000000e+00, v17;
	_ =	sdelay $0x1  }
0x2b: {  	v16 =	vmul.f32 v17, v16  }
0x2c: {  	s31 =	simm.s32 $0x10  }
0x2d: {  	v17 =	vmov s31;
	v15 =	vmul.f32 v16, v15  }
0x2e: {  	v17 =	vmul.u32 $0x7, v17  }
0x2f: {  	v15 =	vmul.f32 v15, v16  }
0x30: {  	v20 =	vbroadcast v17, $0x0  }
0x31: {  	v15 =	vsub.f32 $1.500000000e+00, v15  }
0x32: {  	v17 =	vadd.s32 v0, v20;
	v22 =	vadd.s32 v2, v20;
	v24 =	vadd.s32 v5, v20  }
0x33: {  	v17 =	vand.u32 $0xFFFFFFF8, v17;
	v22 =	vand.u32 $0xFFFFFFF8, v22;
	v25 =	vmul.f32 v15, v16  }
0x34: {  	v63 =	vadd.s32 v7, v20;
	v16 =	vor.u32 v1, v17;
	v15 =	vor.u32 v3, v22  }
0x35: {  	v17 =	vand.u32 $0xFFFFFFF8, v24;
	v22 =	vmul.f32 v25, v18;
	v20 =	vmul.f32 v25, v19  }
0x36: {  	s30 =	simm.s32 $0x0;
	s0 =	simm.s32 $0x20;
	v18 =	vand.u32 $0xFFFFFFF8, v63;
	v21 =	vmul.f32 v25, v21;
	v19 =	vmul.f32 v25, v23  }
.LBB2_2:
0x37: {  	p0 =	sne.s32 s0, $0x7C0;
	[tilespmem:v11+s30+$0x0] =	vst.idx.msk $0xffff, v22;
	v11 =	vmov v16;
	s1 =	smov.u32 s0;
	s0 =	sadd.s32 $0x10, s0  }
0x38: {  	[tilespmem:v12+s30+$0x0] =	vst.idx.msk $0xffff, v20;
	v12 =	vmov v15  }
0x39: {  	[tilespmem:v13+s30+$0x0] =	vst.idx.msk $0xffff, v21;
	v13 =	vor.u32 v6, v17  }
0x3a: {  	[tilespmem:v14+s30+$0x0] =	vst.idx.msk $0xffff, v19;
	s30 =	simm.s32 $0x0  }
0x3b: {  	v14 =	vor.u32 v8, v18;
	v19 =	vld.idx.msk [tilespmem:v16+s30+$0x0], $0xffff  }
0x3c: {  	v18 =	vld.idx.msk [tilespmem:v15+s30+$0x0], $0xffff;
	_ =	sdelay $0x1  }
0x3d: {  	v21 =	vld.idx.msk [tilespmem:v13+s30+$0x0], $0xffff;
	_ =	sdelay $0x1  }
0x3e: {  	v23 =	vld.idx.msk [tilespmem:v14+s30+$0x0], $0xffff;
	_ =	sdelay $0x1  }
0x3f: {  	v15 =	vmul.f32 v19, v19;
	v16 =	vmul.f32 v18, v18;
	_ =	sdelay $0x1  }
0x40: {  	v15 =	vadd.f32 v16, v15;
	v16 =	vmul.f32 v21, v21;
	_ =	sdelay $0x1  }
0x41: {  	v15 =	vadd.f32 v16, v15;
	v16 =	vmul.f32 v23, v23;
	_ =	sdelay $0x1  }
0x42: {  	v15 =	vadd.f32 v16, v15;
	_ =	sdelay $0x1  }
0x43: {  	v16 =	vshrl.u32 v15, $0x1;
	v15 =	vmul.f32 $5.000000000e-01, v15  }
0x44: {  	v16 =	vsub.s32 $0x5F3759DF, v16  }
0x45: {  	v17 =	vmul.f32 v16, v15;
	_ =	sdelay $0x1  }
0x46: {  	v17 =	vmul.f32 v16, v17;
	_ =	sdelay $0x1  }
0x47: {  	v17 =	vsub.f32 $1.500000000e+00, v17;
	_ =	sdelay $0x1  }
0x48: {  	v16 =	vmul.f32 v16, v17;
	_ =	sdelay $0x1  }
0x49: {  	v17 =	vmul.f32 v16, v15;
	_ =	sdelay $0x1  }
0x4a: {  	v17 =	vmul.f32 v17, v16;
	_ =	sdelay $0x1  }
0x4b: {  	v17 =	vsub.f32 $1.500000000e+00, v17;
	_ =	sdelay $0x1  }
0x4c: {  	v16 =	vmul.f32 v17, v16;
	_ =	sdelay $0x1  }
0x4d: {  	v17 =	vmov s1;
	v15 =	vmul.f32 v16, v15  }
0x4e: {  	v17 =	vmul.u32 $0x7, v17  }
0x4f: {  	v15 =	vmul.f32 v15, v16  }
0x50: {  	v20 =	vbroadcast v17, $0x0  }
0x51: {  	v15 =	vsub.f32 $1.500000000e+00, v15  }
.Ltmp0:
0x52: {  	v17 =	vadd.s32 v0, v20;
	v22 =	vadd.s32 v2, v20;
	v24 =	vadd.s32 v5, v20;
	(pc) =	sbr.rel @p0 .LBB2_2-.Ltmp0, $4  }
0x53: {  	v17 =	vand.u32 $0xFFFFFFF8, v17;
	v22 =	vand.u32 $0xFFFFFFF8, v22;
	v25 =	vmul.f32 v15, v16  }
0x54: {  	v16 =	vor.u32 v1, v17;
	v15 =	vor.u32 v3, v22;
	v17 =	vand.u32 $0xFFFFFFF8, v24  }
0x55: {  	v24 =	vadd.s32 v7, v20;
	v22 =	vmul.f32 v25, v19;
	v20 =	vmul.f32 v25, v18  }
0x56: {  	v18 =	vand.u32 $0xFFFFFFF8, v24;
	v21 =	vmul.f32 v25, v21;
	v19 =	vmul.f32 v25, v23  }
0x57: {  	_ =	sdelay $0x3  }
0x58: {  	[tilespmem:v11+s30+$0x0] =	vst.idx.msk $0xffff, v22  }
0x59: {  	[tilespmem:v12+s30+$0x0] =	vst.idx.msk $0xffff, v20  }
0x5a: {  	v11 =	vor.u32 v6, v17;
	[tilespmem:v13+s30+$0x0] =	vst.idx.msk $0xffff, v21  }
0x5b: {  	[tilespmem:v14+s30+$0x0] =	vst.idx.msk $0xffff, v19  }
0x5c: {  	v57 =	vor.u32 v8, v18;
	v12 =	vld.idx.msk [tilespmem:v16+s30+$0x0], $0xffff  }
0x5d: {  	v14 =	vld.idx.msk [tilespmem:v15+s30+$0x0], $0xffff;
	_ =	sdelay $0x1  }
0x5e: {  	v17 =	vld.idx.msk [tilespmem:v11+s30+$0x0], $0xffff;
	_ =	sdelay $0x1  }
0x5f: {  	v18 =	vld.idx.msk [tilespmem:v57+s30+$0x0], $0xffff  }
0x60: {  	v58 =	vmul.f32 v12, v12;
	v59 =	vmul.f32 v14, v14;
	_ =	sdelay $0x1  }
0x61: {  	v60 =	vmul.f32 v17, v17;
	v19 =	vadd.f32 v59, v58;
	_ =	sdelay $0x1  }
0x62: {  	v61 =	vmul.f32 v18, v18;
	v19 =	vadd.f32 v60, v19;
	_ =	sdelay $0x1  }
0x63: {  	v19 =	vadd.f32 v61, v19;
	_ =	sdelay $0x1  }
0x64: {  	v20 =	vshrl.u32 v19, $0x1;
	v19 =	vmul.f32 $5.000000000e-01, v19  }
0x65: {  	v20 =	vsub.s32 $0x5F3759DF, v20  }
0x66: {  	v62 =	vmul.f32 v20, v19;
	_ =	sdelay $0x1  }
0x67: {  	v21 =	vmul.f32 v20, v62;
	_ =	sdelay $0x1  }
0x68: {  	v21 =	vsub.f32 $1.500000000e+00, v21;
	_ =	sdelay $0x1  }
0x69: {  	v20 =	vmul.f32 v20, v21;
	_ =	sdelay $0x1  }
0x6a: {  	v21 =	vmul.f32 v20, v19;
	_ =	sdelay $0x1  }
0x6b: {  	v21 =	vmul.f32 v21, v20;
	_ =	sdelay $0x1  }
0x6c: {  	v21 =	vsub.f32 $1.500000000e+00, v21;
	_ =	sdelay $0x1  }
0x6d: {  	v20 =	vmul.f32 v21, v20;
	_ =	sdelay $0x1  }
0x6e: {  	v19 =	vmul.f32 v20, v19;
	_ =	sdelay $0x1  }
0x6f: {  	v19 =	vmul.f32 v19, v20;
	_ =	sdelay $0x1  }
0x70: {  	v19 =	vsub.f32 $1.500000000e+00, v19;
	_ =	sdelay $0x1  }
0x71: {  	v19 =	vmul.f32 v19, v20;
	_ =	sdelay $0x1  }
0x72: {  	v12 =	vmul.f32 v19, v12  }
0x73: {  	v14 =	vmul.f32 v19, v14  }
0x74: {  	v17 =	vmul.f32 v19, v17;
	[tilespmem:v16+s30+$0x0] =	vst.idx.msk $0xffff, v12  }
0x75: {  	v63 =	vmul.f32 v19, v18;
	[tilespmem:v15+s30+$0x0] =	vst.idx.msk $0xffff, v14  }
0x76: {  	[tilespmem:v11+s30+$0x0] =	vst.idx.msk $0xffff, v17  }
0x77: {  	s31 =	simm.s32 $0x0;
	[tilespmem:v57+s30+$0x0] =	vst.idx.msk $0xffff, v63  }
.LBB2_4:
0x78: {  	s0 =	sshll.u32 s31, $0x9  }
0x79: {  	s0 =	sadd.s32 s10, s0  }
0x7a: {  	s3 =	rddreg [dreg:$0x1];
	s1 =	sshrl.u32 s0, $0x3  }
0x7b: {  	s7 =	simm.s32 $0x4E20;
	s3 =	sadd.s32 s3, s1  }
0x7c: {  	[tilespmem:s7], [sflag:$0x2] =	stream.linear.gather [hbm4b:s3+s30], $0x200, $0x38;
	[tilespmem:$0x5D20] =	vst v63  }
0x7d: {  	_ =	swait.ge [sflag:s15], $0x200  }
0x7e: {  	[sflag:s15] =	ssyncset.done $0x0  }
0x7f: {  	s6 =	simm.s32 $0x5020;
	s19 =	sadd.s32 s5, s1;
	[sflag:s15] =	ssyncadd.s32 $0xFFFFFE00  }
0x80: {  	[tilespmem:s6], [sflag:$0x2] =	stream.linear.gather [hbm4b:s19+s30], $0x80, $0x38;
	[tilespmem:$0x5D20] =	vst v63  }
0x81: {  	_ =	swait.ge [sflag:s15], $0x80  }
0x82: {  	[sflag:s15] =	ssyncset.done $0x0  }
0x83: {  	s14 =	simm.s32 $0x50A0;
	s6 =	sadd.s32 s1, s11;
	[sflag:s15] =	ssyncadd.s32 $0xFFFFFF80  }
0x84: {  	[tilespmem:s14], [sflag:$0x2] =	stream.linear.gather [hbm4b:s6+s30], $0x80, $0x38;
	[tilespmem:$0x5D20] =	vst v63  }
0x85: {  	_ =	swait.ge [sflag:s15], $0x80  }
0x86: {  	[sflag:s15] =	ssyncset.done $0x0  }
0x87: {  	s18 =	simm.s32 $0x5120;
	s17 =	sadd.s32 s1, s12;
	[sflag:s15] =	ssyncadd.s32 $0xFFFFFF80  }
0x88: {  	[tilespmem:s18], [sflag:$0x2] =	stream.linear.gather [hbm4b:s17+s30], $0x80, $0x38;
	[tilespmem:$0x5D20] =	vst v63  }
0x89: {  	_ =	swait.ge [sflag:s15], $0x80  }
0x8a: {  	[sflag:s15] =	ssyncset.done $0x0  }
0x8b: {  	s1 =	sadd.s32 s1, s13;
	[sflag:s15] =	ssyncadd.s32 $0xFFFFFF80  }
0x8c: {  	[tilespmem:s20], [sflag:$0x2] =	stream.linear.gather [hbm4b:s1+s30], $0x80, $0x38;
	[tilespmem:$0x5D20] =	vst v63  }
0x8d: {  	_ =	swait.ge [sflag:s15], $0x80  }
0x8e: {  	s0 =	sshrl.u32 s0, $0x2;
	[sflag:s15] =	ssyncset.done $0x0  }
0x8f: {  	s19 =	sadd.s32 s4, s0;
	[sflag:s15] =	ssyncadd.s32 $0xFFFFFF80  }
0x90: {  	[tilespmem:s21], [sflag:$0x2] =	stream.linear.gather [hbm4b:s19+s30], $0x400, $0x38;
	[tilespmem:$0x5D20] =	vst v63  }
0x91: {  	_ =	swait.ge [sflag:s15], $0x400  }
0x92: {  	[sflag:s15] =	ssyncset.done $0x0  }
0x93: {  	[sflag:s15] =	ssyncadd.s32 $0xFFFFFC00  }
0x94: {  	v11 =	vld [tilespmem:$0x5020]  }
0x95: {  	v12 =	vld [tilespmem:$0x5030];
	_ =	sdelay $0x1  }
0x96: {  	v13 =	vld [tilespmem:$0x5040];
	_ =	sdelay $0x1  }
0x97: {  	v11 =	vmul.u32 $0x3, v11  }
0x98: {  	v12 =	vmul.u32 $0x3, v12  }
0x99: {  	[tilespmem:$0x5620] =	vst v11  }
0x9a: {  	v13 =	vmul.u32 $0x3, v13;
	v14 =	vadd.s32 $0x1, v11;
	v11 =	vadd.s32 $0x2, v11;
	[tilespmem:$0x5630] =	vst v12  }
0x9b: {  	[tilespmem:$0x5720] =	vst v11;
	v11 =	vld [tilespmem:$0x5050]  }
0x9c: {  	[tilespmem:$0x5640] =	vst v13  }
0x9d: {  	[tilespmem:$0x56A0] =	vst v14;
	v14 =	vadd.s32 $0x1, v12;
	v12 =	vadd.s32 $0x2, v12  }
0x9e: {  	[tilespmem:$0x5730] =	vst v12;
	v12 =	vld [tilespmem:$0x5060]  }
0x9f: {  	[tilespmem:$0x56B0] =	vst v14;
	v14 =	vadd.s32 $0x1, v13  }
0xa0: {  	v13 =	vadd.s32 $0x2, v13;
	[tilespmem:$0x56C0] =	vst v14;
	v11 =	vmul.u32 $0x3, v11  }
0xa1: {  	[tilespmem:$0x5740] =	vst v13;
	v13 =	vld [tilespmem:$0x5070]  }
0xa2: {  	[tilespmem:$0x5650] =	vst v11;
	v14 =	vadd.s32 $0x1, v11  }
0xa3: {  	v12 =	vmul.u32 $0x3, v12;
	v11 =	vadd.s32 $0x2, v11;
	[tilespmem:$0x56D0] =	vst v14  }
0xa4: {  	[tilespmem:$0x5750] =	vst v11;
	v11 =	vld [tilespmem:$0x5080]  }
0xa5: {  	[tilespmem:$0x5660] =	vst v12;
	v14 =	vadd.s32 $0x1, v12  }
0xa6: {  	v13 =	vmul.u32 $0x3, v13;
	v12 =	vadd.s32 $0x2, v12;
	[tilespmem:$0x56E0] =	vst v14  }
0xa7: {  	[tilespmem:$0x5760] =	vst v12;
	v12 =	vld [tilespmem:$0x5090]  }
0xa8: {  	[tilespmem:$0x5670] =	vst v13;
	v14 =	vadd.s32 $0x1, v13  }
0xa9: {  	v13 =	vadd.s32 $0x2, v13;
	[tilespmem:$0x56F0] =	vst v14;
	v11 =	vmul.u32 $0x3, v11  }
0xaa: {  	[tilespmem:$0x5770] =	vst v13  }
0xab: {  	[tilespmem:$0x5680] =	vst v11;
	v13 =	vadd.s32 $0x1, v11  }
0xac: {  	v12 =	vmul.u32 $0x3, v12;
	v11 =	vadd.s32 $0x2, v11;
	[tilespmem:$0x5700] =	vst v13  }
0xad: {  	[tilespmem:$0x5780] =	vst v11  }
0xae: {  	[tilespmem:$0x5690] =	vst v12;
	v11 =	vadd.s32 $0x1, v12  }
0xaf: {  	[tilespmem:$0x5710] =	vst v11;
	v11 =	vadd.s32 $0x2, v12  }
0xb0: {  	s3 =	simm.s32 $0x57A0;
	[tilespmem:$0x5790] =	vst v11  }
0xb1: {  	[tilespmem:s3], [sflag:$0x1] =	stream.indirect.gather [hbm4b:s8+s22], $0x1, s23, s22, $0xb8;
	[tilespmem:$0x5D20] =	vst v63  }
0xb2: {  	_ =	swait.ge [sflag:s24], $0x80  }
0xb3: {  	[sflag:s24] =	ssyncset.done $0x0  }
0xb4: {  	s6 =	simm.s32 $0x5820;
	[sflag:s24] =	ssyncadd.s32 $0xFFFFFF80  }
0xb5: {  	[tilespmem:s6], [sflag:$0x1] =	stream.indirect.gather [hbm4b:s8+s22], $0x1, s25, s22, $0xb8;
	[tilespmem:$0x5D20] =	vst v63  }
0xb6: {  	_ =	swait.ge [sflag:s24], $0x80  }
0xb7: {  	[sflag:s24] =	ssyncset.done $0x0  }
0xb8: {  	s14 =	simm.s32 $0x58A0;
	[sflag:s24] =	ssyncadd.s32 $0xFFFFFF80  }
0xb9: {  	[tilespmem:s14], [sflag:$0x1] =	stream.indirect.gather [hbm4b:s8+s22], $0x1, s26, s22, $0xb8;
	[tilespmem:$0x5D20] =	vst v63  }
0xba: {  	_ =	swait.ge [sflag:s24], $0x80  }
0xbb: {  	[sflag:s24] =	ssyncset.done $0x0  }
0xbc: {  	[sflag:s24] =	ssyncadd.s32 $0xFFFFFF80  }
0xbd: {  	v11 =	vld [tilespmem:s7+$0x0];
	_ =	sdelay $0x4  }
0xbe: {  	v12 =	vmul.u32 $0x7, v11;
	_ =	sdelay $0x1  }
0xbf: {  	v13 =	vadd.s32 $0x3, v12  }
0xc0: {  	v14 =	vadd.s32 $0x1, v12  }
0xc1: {  	v16 =	vld [tilespmem:s14+$0x0];
	v15 =	vadd.s32 $0x2, v12  }
0xc2: {  	v17 =	vld [tilespmem:s6+$0x0]  }
0xc3: {  	v18 =	vld [tilespmem:s3+$0x0]  }
0xc4: {  	v13 =	vld.idx.msk [tilespmem:v13+s2+$0x0], $0xffff  }
0xc5: {  	v14 =	vld.idx.msk [tilespmem:v14+s2+$0x0], $0xffff  }
0xc6: {  	v15 =	vld.idx.msk [tilespmem:v15+s2+$0x0], $0xffff;
	_ =	sdelay $0x2  }
0xc7: {  	v19 =	vmul.f32 v17, v13;
	v20 =	vmul.f32 v18, v13  }
0xc8: {  	v21 =	vmul.f32 v16, v14;
	v22 =	vmul.f32 v17, v14  }
0xc9: {  	v23 =	vmul.f32 v16, v15;
	v24 =	vmul.f32 v18, v15  }
0xca: {  	v25 =	vld.idx.msk [tilespmem:v12+s2+$0x0], $0xffff;
	v20 =	vsub.f32 v20, v21  }
0xcb: {  	v51 =	vadd.s32 $0x6, v12;
	v19 =	vsub.f32 v23, v19;
	v22 =	vsub.f32 v22, v24  }
0xcc: {  	v20 =	vadd.f32 v20, v20  }
0xcd: {  	v19 =	vadd.f32 v19, v19;
	v22 =	vadd.f32 v22, v22  }
0xce: {  	v52 =	vmul.f32 v20, v14  }
0xcf: {  	v53 =	vmul.f32 v22, v25;
	v26 =	vmul.f32 v19, v15  }
0xd0: {  	v21 =	vld.idx.msk [tilespmem:v51+s2+$0x0], $0xffff  }
0xd1: {  	v16 =	vadd.f32 v53, v16;
	v23 =	vsub.f32 v52, v26  }
0xd2: {  	v54 =	vadd.s32 $0x5, v12  }
0xd3: {  	v12 =	vadd.s32 $0x4, v12;
	v16 =	vadd.f32 v23, v16  }
0xd4: {  	v55 =	vmul.f32 v20, v13  }
0xd5: {  	v56 =	vmul.f32 v19, v25;
	v15 =	vmul.f32 v22, v15;
	v16 =	vadd.f32 v16, v21  }
0xd6: {  	v13 =	vmul.f32 v19, v13;
	v14 =	vmul.f32 v22, v14  }
0xd7: {  	v58 =	vld.idx.msk [tilespmem:v54+s2+$0x0], $0xffff;
	v57 =	vmul.f32 v20, v25;
	(erf) = vrcp.f32 v16  }
0xd8: {  	v12 =	vld.idx.msk [tilespmem:v12+s2+$0x0], $0xffff;
	v59 =	vadd.f32 v56, v18;
	v15 =	vsub.f32 v15, v55  }
0xd9: {  	v13 =	vsub.f32 v13, v14;
	v14 =	vadd.f32 v57, v17;
	_ =	sdelay $0x1  }
0xda: {  	v60 =	vmul.u32 $0x3, v11;
	v11 =	vadd.f32 v15, v59;
	v13 =	vadd.f32 v13, v14;
	_ =	sdelay $0x1  }
0xdb: {  	v14 =	vadd.s32 $0x2, v60;
	v11 =	vadd.f32 v11, v12;
	v12 =	vadd.f32 v13, v58;
	_ =	sdelay $0x1  }
0xdc: {  	v13 =	vadd.s32 $0x1, v60;
	v11 =	vsub.f32 $0.0e+00, v11;
	v12 =	vsub.f32 $0.0e+00, v12  }
0xdd: {  	v15 =	vpop (erf)  }
0xde: {  	v61 =	vmul.f32 v15, v11;
	v15 =	vmul.f32 v15, v12  }
0xdf: {  	v11 =	vld.idx.msk [tilespmem:v14+s16+$0x0], $0xffff  }
0xe0: {  	v12 =	vmul.f32 v61, v61;
	v14 =	vmul.f32 v15, v15  }
0xe1: {  	v13 =	vld.idx.msk [tilespmem:v13+s16+$0x0], $0xffff  }
0xe2: {  	v14 =	vadd.f32 v14, v12;
	_ =	sdelay $0x1  }
0xe3: {  	v12 =	vor.u32 s30, v4;
	v62 =	vmul.f32 v14, v11  }
0xe4: {  	v11 =	vand.u32 v9, v12  }
0xe5: {  	v12 =	vor.u32 s30, v10;
	v13 =	vadd.f32 v62, v13  }
0xe6: {  	v17 =	vld.idx.msk [tilespmem:v60+s16+$0x0], $0xffff  }
0xe7: {  	v13 =	vmul.f32 v13, v14;
	_ =	sdelay $0x1  }
0xe8: {  	v14 =	vld.idx.msk [tilespmem:v11+s21+$0x0], $0xffff;
	v13 =	vadd.f32 $1.000000000e+00, v13  }
0xe9: {  	p0 =	por $0x1, $0x1;
	v63 =	vld.idx.msk [tilespmem:v12+s21+$0x0], $0xffff  }
.Ltmp1:
0xea: {  	v13 =	vmul.f32 v13, v17;
	(pc) =	sbr.rel @!p0 .LBB2_6-.Ltmp1, $4  }
0xeb: {  	_ = 	snop  }
0xec: {  	v16 =	vmul.f32 v13, v61;
	v13 =	vmul.f32 v13, v15  }
0xed: {  	s29 =	simm.s32 $0x20  }
0xee: {  	s17 =	simm.s32 $0x57A0;
	s18 =	simm.s32 $0x5820;
	s1 =	simm.s32 $0x58B0;
	v14 =	vsub.f32 v16, v14;
	v13 =	vsub.f32 v13, v63  }
.LBB2_5:
0xef: {  	s7 =	sadd.s32 $0x10, s7;
	s17 =	sadd.s32 $0x10, s17;
	s18 =	sadd.s32 $0x10, s18  }
0xf0: {  	p0 =	sne.s32 s29, $0xE0;
	s19 =	smov.u32 s29;
	s29 =	sadd.s32 $0x20, s29;
	[tilespmem:v11+s28+$0x0] =	vst.idx.msk $0xffff, v14  }
0xf1: {  	[tilespmem:v12+s28+$0x0] =	vst.idx.msk $0xffff, v13  }
0xf2: {  	v11 =	vld [tilespmem:s7+$0x0];
	_ =	sdelay $0x4  }
0xf3: {  	v12 =	vmul.u32 $0x7, v11;
	v13 =	vmul.u32 $0x3, v11;
	_ =	sdelay $0x1  }
0xf4: {  	v11 =	vadd.s32 $0x1, v12;
	v14 =	vadd.s32 $0x2, v12;
	v15 =	vadd.s32 $0x3, v12  }
0xf5: {  	v16 =	vadd.s32 $0x4, v12;
	v17 =	vadd.s32 $0x5, v12;
	v18 =	vadd.s32 $0x6, v12  }
0xf6: {  	v19 =	vadd.s32 $0x1, v13;
	v20 =	vadd.s32 $0x2, v13;
	v21 =	vld [tilespmem:s1+$0x0]  }
0xf7: {  	v22 =	vld [tilespmem:s18+$0x0]  }
0xf8: {  	v23 =	vld [tilespmem:s17+$0x0]  }
0xf9: {  	v15 =	vld.idx.msk [tilespmem:v15+s2+$0x0], $0xffff  }
0xfa: {  	v11 =	vld.idx.msk [tilespmem:v11+s2+$0x0], $0xffff  }
0xfb: {  	v14 =	vld.idx.msk [tilespmem:v14+s2+$0x0], $0xffff;
	_ =	sdelay $0x3  }
0xfc: {  	v24 =	vmul.f32 v22, v15;
	v25 =	vmul.f32 v23, v15  }
0xfd: {  	v26 =	vmul.f32 v21, v11;
	v27 =	vmul.f32 v22, v11;
	v12 =	vld.idx.msk [tilespmem:v12+s2+$0x0], $0xffff  }
0xfe: {  	v28 =	vmul.f32 v21, v14;
	v29 =	vmul.f32 v23, v14  }
0xff: {  	v25 =	vsub.f32 v25, v26  }
0x100: {  	v24 =	vsub.f32 v28, v24;
	v26 =	vsub.f32 v27, v29  }
0x101: {  	v25 =	vadd.f32 v25, v25  }
0x102: {  	v24 =	vadd.f32 v24, v24;
	v26 =	vadd.f32 v26, v26  }
0x103: {  	v27 =	vmul.f32 v25, v15;
	v28 =	vmul.f32 v25, v11;
	v18 =	vld.idx.msk [tilespmem:v18+s2+$0x0], $0xffff  }
0x104: {  	v29 =	vmul.f32 v26, v12;
	v30 =	vmul.f32 v24, v14  }
0x105: {  	v31 =	vmul.f32 v24, v12;
	v14 =	vmul.f32 v26, v14  }
0x106: {  	v15 =	vmul.f32 v24, v15;
	v21 =	vadd.f32 v29, v21;
	v24 =	vsub.f32 v28, v30  }
0x107: {  	v11 =	vmul.f32 v26, v11;
	v23 =	vadd.f32 v31, v23;
	v14 =	vsub.f32 v14, v27  }
0x108: {  	v12 =	vmul.f32 v25, v12;
	v21 =	vadd.f32 v24, v21  }
0x109: {  	v11 =	vsub.f32 v15, v11;
	v14 =	vadd.f32 v14, v23  }
0x10a: {  	v15 =	vld.idx.msk [tilespmem:v17+s2+$0x0], $0xffff;
	v17 =	vadd.f32 v21, v18  }
0x10b: {  	v16 =	vld.idx.msk [tilespmem:v16+s2+$0x0], $0xffff  }
0x10c: {  	(erf) = vrcp.f32 v17  }
0x10d: {  	v12 =	vadd.f32 v12, v22;
	_ =	sdelay $0x1  }
0x10e: {  	v11 =	vadd.f32 v11, v12;
	_ =	sdelay $0x1  }
0x10f: {  	v11 =	vadd.f32 v11, v15;
	v12 =	vadd.f32 v14, v16;
	_ =	sdelay $0x1  }
0x110: {  	v11 =	vsub.f32 $0.0e+00, v11;
	v12 =	vsub.f32 $0.0e+00, v12;
	_ =	sdelay $0x1  }
0x111: {  	v14 =	vld.idx.msk [tilespmem:v20+s16+$0x0], $0xffff;
	v15 =	vpop (erf)  }
0x112: {  	v16 =	vmul.f32 v15, v12;
	v15 =	vmul.f32 v15, v11  }
0x113: {  	v17 =	vld.idx.msk [tilespmem:v19+s16+$0x0], $0xffff  }
0x114: {  	v11 =	vmul.f32 v16, v16;
	v12 =	vmul.f32 v15, v15;
	_ =	sdelay $0x1  }
0x115: {  	v18 =	vadd.f32 v12, v11  }
0x116: {  	v11 =	vor.u32 s19, v4  }
0x117: {  	v11 =	vand.u32 v9, v11;
	v14 =	vmul.f32 v18, v14  }
0x118: {  	v12 =	vor.u32 s19, v10;
	v13 =	vld.idx.msk [tilespmem:v13+s16+$0x0], $0xffff  }
0x119: {  	v14 =	vadd.f32 v14, v17;
	_ =	sdelay $0x1  }
0x11a: {  	v14 =	vmul.f32 v14, v18  }
0x11b: {  	v17 =	vld.idx.msk [tilespmem:v11+s21+$0x0], $0xffff  }
0x11c: {  	v18 =	vld.idx.msk [tilespmem:v12+s21+$0x0], $0xffff;
	v14 =	vadd.f32 $1.000000000e+00, v14;
	_ =	sdelay $0x1  }
.Ltmp2:
0x11d: {  	v13 =	vmul.f32 v14, v13;
	(pc) =	sbr.rel @p0 .LBB2_5-.Ltmp2, $3  }
0x11e: {  	_ = 	snop  }
0x11f: {  	v14 =	vmul.f32 v13, v16;
	v13 =	vmul.f32 v13, v15;
	_ =	sdelay $0x1  }
0x120: {  	s1 =	sadd.s32 $0x10, s1;
	v14 =	vsub.f32 v14, v17;
	v13 =	vsub.f32 v13, v18  }
.LBB2_6:
0x121: {  	_ =	sdelay $0x3  }
0x122: {  	[tilespmem:v11+s28+$0x0] =	vst.idx.msk $0xffff, v14  }
0x123: {  	[tilespmem:v12+s28+$0x0] =	vst.idx.msk $0xffff, v13  }
0x124: {  	v11 =	vld [tilespmem:$0x50A0]  }
0x125: {  	v12 =	vld [tilespmem:$0x50B0];
	_ =	sdelay $0x1  }
0x126: {  	v13 =	vld [tilespmem:$0x50C0];
	_ =	sdelay $0x1  }
0x127: {  	v11 =	vmul.u32 $0x3, v11  }
0x128: {  	v12 =	vmul.u32 $0x3, v12  }
0x129: {  	[tilespmem:$0x5620] =	vst v11  }
0x12a: {  	v13 =	vmul.u32 $0x3, v13;
	v14 =	vadd.s32 $0x1, v11;
	v11 =	vadd.s32 $0x2, v11;
	[tilespmem:$0x5630] =	vst v12  }
0x12b: {  	[tilespmem:$0x5720] =	vst v11;
	v11 =	vld [tilespmem:$0x50D0]  }
0x12c: {  	[tilespmem:$0x5640] =	vst v13  }
0x12d: {  	[tilespmem:$0x56A0] =	vst v14;
	v14 =	vadd.s32 $0x1, v12;
	v12 =	vadd.s32 $0x2, v12  }
0x12e: {  	[tilespmem:$0x5730] =	vst v12;
	v12 =	vld [tilespmem:$0x50E0]  }
0x12f: {  	[tilespmem:$0x56B0] =	vst v14;
	v14 =	vadd.s32 $0x1, v13  }
0x130: {  	v13 =	vadd.s32 $0x2, v13;
	[tilespmem:$0x56C0] =	vst v14;
	v11 =	vmul.u32 $0x3, v11  }
0x131: {  	[tilespmem:$0x5740] =	vst v13;
	v13 =	vld [tilespmem:$0x50F0]  }
0x132: {  	[tilespmem:$0x5650] =	vst v11;
	v14 =	vadd.s32 $0x1, v11  }
0x133: {  	v12 =	vmul.u32 $0x3, v12;
	v11 =	vadd.s32 $0x2, v11;
	[tilespmem:$0x56D0] =	vst v14  }
0x134: {  	[tilespmem:$0x5750] =	vst v11;
	v11 =	vld [tilespmem:$0x5100]  }
0x135: {  	[tilespmem:$0x5660] =	vst v12;
	v14 =	vadd.s32 $0x1, v12  }
0x136: {  	v13 =	vmul.u32 $0x3, v13;
	v12 =	vadd.s32 $0x2, v12;
	[tilespmem:$0x56E0] =	vst v14  }
0x137: {  	[tilespmem:$0x5760] =	vst v12;
	v12 =	vld [tilespmem:$0x5110]  }
0x138: {  	[tilespmem:$0x5670] =	vst v13;
	v14 =	vadd.s32 $0x1, v13  }
0x139: {  	v13 =	vadd.s32 $0x2, v13;
	[tilespmem:$0x56F0] =	vst v14;
	v11 =	vmul.u32 $0x3, v11  }
0x13a: {  	[tilespmem:$0x5770] =	vst v13  }
0x13b: {  	[tilespmem:$0x5680] =	vst v11;
	v13 =	vadd.s32 $0x1, v11  }
0x13c: {  	v12 =	vmul.u32 $0x3, v12;
	v11 =	vadd.s32 $0x2, v11;
	[tilespmem:$0x5700] =	vst v13  }
0x13d: {  	[tilespmem:$0x5780] =	vst v11  }
0x13e: {  	[tilespmem:$0x5690] =	vst v12;
	v11 =	vadd.s32 $0x1, v12  }
0x13f: {  	[tilespmem:$0x5710] =	vst v11;
	v11 =	vadd.s32 $0x2, v12  }
0x140: {  	[tilespmem:$0x5790] =	vst v11  }
0x141: {  	[tilespmem:s3], [sflag:$0x1] =	stream.indirect.gather [hbm4b:s8+s22], $0x1, s23, s22, $0xb8;
	[tilespmem:$0x5D20] =	vst v63  }
0x142: {  	_ =	swait.ge [sflag:s24], $0x80  }
0x143: {  	[sflag:s24] =	ssyncset.done $0x0  }
0x144: {  	[sflag:s24] =	ssyncadd.s32 $0xFFFFFF80  }
0x145: {  	[tilespmem:s6], [sflag:$0x1] =	stream.indirect.gather [hbm4b:s8+s22], $0x1, s25, s22, $0xb8;
	[tilespmem:$0x5D20] =	vst v63  }
0x146: {  	_ =	swait.ge [sflag:s24], $0x80  }
0x147: {  	[sflag:s24] =	ssyncset.done $0x0  }
0x148: {  	[sflag:s24] =	ssyncadd.s32 $0xFFFFFF80  }
0x149: {  	[tilespmem:s14], [sflag:$0x1] =	stream.indirect.gather [hbm4b:s8+s22], $0x1, s26, s22, $0xb8;
	[tilespmem:$0x5D20] =	vst v63  }
0x14a: {  	_ =	swait.ge [sflag:s24], $0x80  }
0x14b: {  	[sflag:s24] =	ssyncset.done $0x0  }
0x14c: {  	s7 =	simm.s32 $0x4EA0;
	[sflag:s24] =	ssyncadd.s32 $0xFFFFFF80  }
0x14d: {  	v11 =	vld [tilespmem:s7+$0x0];
	_ =	sdelay $0x4  }
0x14e: {  	v12 =	vmul.u32 $0x7, v11;
	_ =	sdelay $0x1  }
0x14f: {  	v13 =	vadd.s32 $0x3, v12  }
0x150: {  	v14 =	vadd.s32 $0x1, v12  }
0x151: {  	v16 =	vld [tilespmem:s14+$0x0];
	v15 =	vadd.s32 $0x2, v12  }
0x152: {  	v17 =	vld [tilespmem:s6+$0x0]  }
0x153: {  	v18 =	vld [tilespmem:s3+$0x0]  }
0x154: {  	v13 =	vld.idx.msk [tilespmem:v13+s2+$0x0], $0xffff  }
0x155: {  	v14 =	vld.idx.msk [tilespmem:v14+s2+$0x0], $0xffff  }
0x156: {  	v15 =	vld.idx.msk [tilespmem:v15+s2+$0x0], $0xffff;
	_ =	sdelay $0x2  }
0x157: {  	v19 =	vmul.f32 v17, v13;
	v20 =	vmul.f32 v18, v13  }
0x158: {  	v21 =	vmul.f32 v16, v14;
	v22 =	vmul.f32 v17, v14  }
0x159: {  	v23 =	vmul.f32 v16, v15;
	v24 =	vmul.f32 v18, v15  }
0x15a: {  	v25 =	vld.idx.msk [tilespmem:v12+s2+$0x0], $0xffff;
	v20 =	vsub.f32 v20, v21  }
0x15b: {  	v51 =	vadd.s32 $0x6, v12;
	v19 =	vsub.f32 v23, v19;
	v22 =	vsub.f32 v22, v24  }
0x15c: {  	v20 =	vadd.f32 v20, v20  }
0x15d: {  	v19 =	vadd.f32 v19, v19;
	v22 =	vadd.f32 v22, v22  }
0x15e: {  	v52 =	vmul.f32 v20, v14  }
0x15f: {  	v53 =	vmul.f32 v22, v25;
	v26 =	vmul.f32 v19, v15  }
0x160: {  	v21 =	vld.idx.msk [tilespmem:v51+s2+$0x0], $0xffff  }
0x161: {  	v16 =	vadd.f32 v53, v16;
	v23 =	vsub.f32 v52, v26  }
0x162: {  	v54 =	vadd.s32 $0x5, v12  }
0x163: {  	v12 =	vadd.s32 $0x4, v12;
	v16 =	vadd.f32 v23, v16  }
0x164: {  	v55 =	vmul.f32 v20, v13  }
0x165: {  	v56 =	vmul.f32 v19, v25;
	v15 =	vmul.f32 v22, v15;
	v16 =	vadd.f32 v16, v21  }
0x166: {  	v13 =	vmul.f32 v19, v13;
	v14 =	vmul.f32 v22, v14  }
0x167: {  	v58 =	vld.idx.msk [tilespmem:v54+s2+$0x0], $0xffff;
	v57 =	vmul.f32 v20, v25;
	(erf) = vrcp.f32 v16  }
0x168: {  	v12 =	vld.idx.msk [tilespmem:v12+s2+$0x0], $0xffff;
	v59 =	vadd.f32 v56, v18;
	v15 =	vsub.f32 v15, v55  }
0x169: {  	v13 =	vsub.f32 v13, v14;
	v14 =	vadd.f32 v57, v17;
	_ =	sdelay $0x1  }
0x16a: {  	v60 =	vmul.u32 $0x3, v11;
	v11 =	vadd.f32 v15, v59;
	v13 =	vadd.f32 v13, v14;
	_ =	sdelay $0x1  }
0x16b: {  	v14 =	vadd.s32 $0x2, v60;
	v11 =	vadd.f32 v11, v12;
	v12 =	vadd.f32 v13, v58;
	_ =	sdelay $0x1  }
0x16c: {  	v13 =	vadd.s32 $0x1, v60;
	v11 =	vsub.f32 $0.0e+00, v11;
	v12 =	vsub.f32 $0.0e+00, v12  }
0x16d: {  	v15 =	vpop (erf)  }
0x16e: {  	v61 =	vmul.f32 v15, v11;
	v15 =	vmul.f32 v15, v12  }
0x16f: {  	v11 =	vld.idx.msk [tilespmem:v14+s16+$0x0], $0xffff  }
0x170: {  	v12 =	vmul.f32 v61, v61;
	v14 =	vmul.f32 v15, v15  }
0x171: {  	v13 =	vld.idx.msk [tilespmem:v13+s16+$0x0], $0xffff  }
0x172: {  	v14 =	vadd.f32 v14, v12  }
0x173: {  	s1 =	simm.s32 $0x100  }
0x174: {  	v12 =	vor.u32 s1, v4;
	v62 =	vmul.f32 v14, v11  }
0x175: {  	v11 =	vand.u32 v9, v12  }
0x176: {  	v12 =	vor.u32 s1, v10;
	v13 =	vadd.f32 v62, v13  }
0x177: {  	v17 =	vld.idx.msk [tilespmem:v60+s16+$0x0], $0xffff  }
0x178: {  	v13 =	vmul.f32 v13, v14;
	_ =	sdelay $0x1  }
0x179: {  	v14 =	vld.idx.msk [tilespmem:v11+s21+$0x0], $0xffff;
	v13 =	vadd.f32 $1.000000000e+00, v13  }
0x17a: {  	v63 =	vld.idx.msk [tilespmem:v12+s21+$0x0], $0xffff  }
0x17b: {  	v13 =	vmul.f32 v13, v17;
	_ =	sdelay $0x1  }
0x17c: {  	v16 =	vmul.f32 v13, v61;
	v13 =	vmul.f32 v13, v15;
	_ =	sdelay $0x1  }
0x17d: {  	s14 =	simm.s32 $0x58B0;
	s1 =	simm.s32 $0x120;
	v14 =	vsub.f32 v16, v14;
	v13 =	vsub.f32 v13, v63  }
.LBB2_7:
0x17e: {  	s7 =	sadd.s32 $0x10, s7;
	s3 =	sadd.s32 $0x10, s3;
	s6 =	sadd.s32 $0x10, s6  }
0x17f: {  	p0 =	sne.s32 s1, $0x1E0;
	s17 =	smov.u32 s1;
	s1 =	sadd.s32 $0x20, s1;
	[tilespmem:v11+s28+$0x0] =	vst.idx.msk $0xffff, v14  }
0x180: {  	[tilespmem:v12+s28+$0x0] =	vst.idx.msk $0xffff, v13  }
0x181: {  	v11 =	vld [tilespmem:s7+$0x0];
	_ =	sdelay $0x4  }
0x182: {  	v12 =	vmul.u32 $0x7, v11;
	v13 =	vmul.u32 $0x3, v11;
	_ =	sdelay $0x1  }
0x183: {  	v11 =	vadd.s32 $0x1, v12;
	v14 =	vadd.s32 $0x2, v12;
	v15 =	vadd.s32 $0x3, v12  }
0x184: {  	v16 =	vadd.s32 $0x4, v12;
	v17 =	vadd.s32 $0x5, v12;
	v18 =	vadd.s32 $0x6, v12  }
0x185: {  	v19 =	vadd.s32 $0x1, v13;
	v20 =	vadd.s32 $0x2, v13;
	v21 =	vld [tilespmem:s14+$0x0]  }
0x186: {  	v22 =	vld [tilespmem:s6+$0x0]  }
0x187: {  	v23 =	vld [tilespmem:s3+$0x0]  }
0x188: {  	v15 =	vld.idx.msk [tilespmem:v15+s2+$0x0], $0xffff  }
0x189: {  	v11 =	vld.idx.msk [tilespmem:v11+s2+$0x0], $0xffff  }
0x18a: {  	v14 =	vld.idx.msk [tilespmem:v14+s2+$0x0], $0xffff;
	_ =	sdelay $0x3  }
0x18b: {  	v24 =	vmul.f32 v22, v15;
	v25 =	vmul.f32 v23, v15  }
0x18c: {  	v26 =	vmul.f32 v21, v11;
	v27 =	vmul.f32 v22, v11;
	v12 =	vld.idx.msk [tilespmem:v12+s2+$0x0], $0xffff  }
0x18d: {  	v28 =	vmul.f32 v21, v14;
	v29 =	vmul.f32 v23, v14  }
0x18e: {  	v25 =	vsub.f32 v25, v26  }
0x18f: {  	v24 =	vsub.f32 v28, v24;
	v26 =	vsub.f32 v27, v29  }
0x190: {  	v25 =	vadd.f32 v25, v25  }
0x191: {  	v24 =	vadd.f32 v24, v24;
	v26 =	vadd.f32 v26, v26  }
0x192: {  	v27 =	vmul.f32 v25, v15;
	v28 =	vmul.f32 v25, v11;
	v18 =	vld.idx.msk [tilespmem:v18+s2+$0x0], $0xffff  }
0x193: {  	v29 =	vmul.f32 v26, v12;
	v30 =	vmul.f32 v24, v14  }
0x194: {  	v31 =	vmul.f32 v24, v12;
	v14 =	vmul.f32 v26, v14  }
0x195: {  	v15 =	vmul.f32 v24, v15;
	v21 =	vadd.f32 v29, v21;
	v24 =	vsub.f32 v28, v30  }
0x196: {  	v11 =	vmul.f32 v26, v11;
	v23 =	vadd.f32 v31, v23;
	v14 =	vsub.f32 v14, v27  }
0x197: {  	v12 =	vmul.f32 v25, v12;
	v21 =	vadd.f32 v24, v21  }
0x198: {  	v11 =	vsub.f32 v15, v11;
	v14 =	vadd.f32 v14, v23  }
0x199: {  	v15 =	vld.idx.msk [tilespmem:v17+s2+$0x0], $0xffff;
	v17 =	vadd.f32 v21, v18  }
0x19a: {  	v16 =	vld.idx.msk [tilespmem:v16+s2+$0x0], $0xffff  }
0x19b: {  	(erf) = vrcp.f32 v17  }
0x19c: {  	v12 =	vadd.f32 v12, v22;
	_ =	sdelay $0x1  }
0x19d: {  	v11 =	vadd.f32 v11, v12;
	_ =	sdelay $0x1  }
0x19e: {  	v11 =	vadd.f32 v11, v15;
	v12 =	vadd.f32 v14, v16;
	_ =	sdelay $0x1  }
0x19f: {  	v11 =	vsub.f32 $0.0e+00, v11;
	v12 =	vsub.f32 $0.0e+00, v12;
	_ =	sdelay $0x1  }
0x1a0: {  	v14 =	vld.idx.msk [tilespmem:v20+s16+$0x0], $0xffff;
	v15 =	vpop (erf)  }
0x1a1: {  	v16 =	vmul.f32 v15, v12;
	v15 =	vmul.f32 v15, v11  }
0x1a2: {  	v17 =	vld.idx.msk [tilespmem:v19+s16+$0x0], $0xffff  }
0x1a3: {  	v11 =	vmul.f32 v16, v16;
	v12 =	vmul.f32 v15, v15;
	_ =	sdelay $0x1  }
0x1a4: {  	v18 =	vadd.f32 v12, v11  }
0x1a5: {  	v11 =	vor.u32 s17, v4  }
0x1a6: {  	v11 =	vand.u32 v9, v11;
	v14 =	vmul.f32 v18, v14  }
0x1a7: {  	v12 =	vor.u32 s17, v10;
	v13 =	vld.idx.msk [tilespmem:v13+s16+$0x0], $0xffff  }
0x1a8: {  	v14 =	vadd.f32 v14, v17;
	_ =	sdelay $0x1  }
0x1a9: {  	v14 =	vmul.f32 v14, v18  }
0x1aa: {  	v17 =	vld.idx.msk [tilespmem:v11+s21+$0x0], $0xffff  }
0x1ab: {  	v18 =	vld.idx.msk [tilespmem:v12+s21+$0x0], $0xffff;
	v14 =	vadd.f32 $1.000000000e+00, v14;
	_ =	sdelay $0x1  }
.Ltmp3:
0x1ac: {  	v13 =	vmul.f32 v14, v13;
	(pc) =	sbr.rel @p0 .LBB2_7-.Ltmp3, $3  }
0x1ad: {  	_ = 	snop  }
0x1ae: {  	v14 =	vmul.f32 v13, v16;
	v13 =	vmul.f32 v13, v15;
	_ =	sdelay $0x1  }
0x1af: {  	s14 =	sadd.s32 $0x10, s14;
	v14 =	vsub.f32 v14, v17;
	v13 =	vsub.f32 v13, v18  }
0x1b0: {  	_ =	sdelay $0x3  }
0x1b1: {  	[tilespmem:v11+s28+$0x0] =	vst.idx.msk $0xffff, v14  }
0x1b2: {  	[tilespmem:v12+s28+$0x0] =	vst.idx.msk $0xffff, v13  }
0x1b3: {  	v11 =	vld [tilespmem:$0x5120]  }
0x1b4: {  	v12 =	vld [tilespmem:$0x5130];
	_ =	sdelay $0x1  }
0x1b5: {  	v13 =	vld [tilespmem:$0x5140];
	_ =	sdelay $0x1  }
0x1b6: {  	v11 =	vmul.u32 $0x3, v11  }
0x1b7: {  	v12 =	vmul.u32 $0x3, v12  }
0x1b8: {  	[tilespmem:$0x5620] =	vst v11  }
0x1b9: {  	v13 =	vmul.u32 $0x3, v13;
	v14 =	vadd.s32 $0x1, v11;
	v11 =	vadd.s32 $0x2, v11;
	[tilespmem:$0x5630] =	vst v12  }
0x1ba: {  	[tilespmem:$0x5720] =	vst v11;
	v11 =	vld [tilespmem:$0x5150]  }
0x1bb: {  	[tilespmem:$0x5640] =	vst v13  }
0x1bc: {  	[tilespmem:$0x56A0] =	vst v14;
	v14 =	vadd.s32 $0x1, v12;
	v12 =	vadd.s32 $0x2, v12  }
0x1bd: {  	[tilespmem:$0x5730] =	vst v12;
	v12 =	vld [tilespmem:$0x5160]  }
0x1be: {  	[tilespmem:$0x56B0] =	vst v14;
	v14 =	vadd.s32 $0x1, v13  }
0x1bf: {  	v13 =	vadd.s32 $0x2, v13;
	[tilespmem:$0x56C0] =	vst v14;
	v11 =	vmul.u32 $0x3, v11  }
0x1c0: {  	[tilespmem:$0x5740] =	vst v13;
	v13 =	vld [tilespmem:$0x5170]  }
0x1c1: {  	[tilespmem:$0x5650] =	vst v11;
	v14 =	vadd.s32 $0x1, v11  }
0x1c2: {  	v12 =	vmul.u32 $0x3, v12;
	v11 =	vadd.s32 $0x2, v11;
	[tilespmem:$0x56D0] =	vst v14  }
0x1c3: {  	[tilespmem:$0x5750] =	vst v11;
	v11 =	vld [tilespmem:$0x5180]  }
0x1c4: {  	[tilespmem:$0x5660] =	vst v12;
	v14 =	vadd.s32 $0x1, v12  }
0x1c5: {  	v13 =	vmul.u32 $0x3, v13;
	v12 =	vadd.s32 $0x2, v12;
	[tilespmem:$0x56E0] =	vst v14  }
0x1c6: {  	[tilespmem:$0x5760] =	vst v12;
	v12 =	vld [tilespmem:$0x5190]  }
0x1c7: {  	[tilespmem:$0x5670] =	vst v13;
	v14 =	vadd.s32 $0x1, v13  }
0x1c8: {  	v13 =	vadd.s32 $0x2, v13;
	[tilespmem:$0x56F0] =	vst v14;
	v11 =	vmul.u32 $0x3, v11  }
0x1c9: {  	[tilespmem:$0x5770] =	vst v13  }
0x1ca: {  	[tilespmem:$0x5680] =	vst v11;
	v13 =	vadd.s32 $0x1, v11  }
0x1cb: {  	v12 =	vmul.u32 $0x3, v12;
	v11 =	vadd.s32 $0x2, v11;
	[tilespmem:$0x5700] =	vst v13  }
0x1cc: {  	[tilespmem:$0x5780] =	vst v11  }
0x1cd: {  	[tilespmem:$0x5690] =	vst v12;
	v11 =	vadd.s32 $0x1, v12  }
0x1ce: {  	[tilespmem:$0x5710] =	vst v11;
	v11 =	vadd.s32 $0x2, v12  }
0x1cf: {  	s3 =	simm.s32 $0x57A0;
	[tilespmem:$0x5790] =	vst v11  }
0x1d0: {  	[tilespmem:s3], [sflag:$0x1] =	stream.indirect.gather [hbm4b:s8+s22], $0x1, s23, s22, $0xb8;
	[tilespmem:$0x5D20] =	vst v63  }
0x1d1: {  	_ =	swait.ge [sflag:s24], $0x80  }
0x1d2: {  	[sflag:s24] =	ssyncset.done $0x0  }
0x1d3: {  	s6 =	simm.s32 $0x5820;
	[sflag:s24] =	ssyncadd.s32 $0xFFFFFF80  }
0x1d4: {  	[tilespmem:s6], [sflag:$0x1] =	stream.indirect.gather [hbm4b:s8+s22], $0x1, s25, s22, $0xb8;
	[tilespmem:$0x5D20] =	vst v63  }
0x1d5: {  	_ =	swait.ge [sflag:s24], $0x80  }
0x1d6: {  	[sflag:s24] =	ssyncset.done $0x0  }
0x1d7: {  	s1 =	simm.s32 $0x58A0;
	[sflag:s24] =	ssyncadd.s32 $0xFFFFFF80  }
0x1d8: {  	[tilespmem:s1], [sflag:$0x1] =	stream.indirect.gather [hbm4b:s8+s22], $0x1, s26, s22, $0xb8;
	[tilespmem:$0x5D20] =	vst v63  }
0x1d9: {  	_ =	swait.ge [sflag:s24], $0x80  }
0x1da: {  	[sflag:s24] =	ssyncset.done $0x0  }
0x1db: {  	s7 =	simm.s32 $0x4F20;
	[sflag:s24] =	ssyncadd.s32 $0xFFFFFF80  }
0x1dc: {  	v11 =	vld [tilespmem:s7+$0x0];
	_ =	sdelay $0x4  }
0x1dd: {  	v12 =	vmul.u32 $0x7, v11;
	_ =	sdelay $0x1  }
0x1de: {  	v13 =	vadd.s32 $0x3, v12  }
0x1df: {  	v14 =	vadd.s32 $0x1, v12  }
0x1e0: {  	v16 =	vld [tilespmem:s1+$0x0];
	v15 =	vadd.s32 $0x2, v12  }
0x1e1: {  	v17 =	vld [tilespmem:s6+$0x0]  }
0x1e2: {  	v18 =	vld [tilespmem:s3+$0x0]  }
0x1e3: {  	v13 =	vld.idx.msk [tilespmem:v13+s2+$0x0], $0xffff  }
0x1e4: {  	v14 =	vld.idx.msk [tilespmem:v14+s2+$0x0], $0xffff  }
0x1e5: {  	v15 =	vld.idx.msk [tilespmem:v15+s2+$0x0], $0xffff;
	_ =	sdelay $0x2  }
0x1e6: {  	v19 =	vmul.f32 v17, v13;
	v20 =	vmul.f32 v18, v13  }
0x1e7: {  	v21 =	vmul.f32 v16, v14;
	v22 =	vmul.f32 v17, v14  }
0x1e8: {  	v23 =	vmul.f32 v16, v15;
	v24 =	vmul.f32 v18, v15  }
0x1e9: {  	v25 =	vld.idx.msk [tilespmem:v12+s2+$0x0], $0xffff;
	v20 =	vsub.f32 v20, v21  }
0x1ea: {  	v51 =	vadd.s32 $0x6, v12;
	v19 =	vsub.f32 v23, v19;
	v22 =	vsub.f32 v22, v24  }
0x1eb: {  	v20 =	vadd.f32 v20, v20  }
0x1ec: {  	v19 =	vadd.f32 v19, v19;
	v22 =	vadd.f32 v22, v22  }
0x1ed: {  	v52 =	vmul.f32 v20, v14  }
0x1ee: {  	v53 =	vmul.f32 v22, v25;
	v26 =	vmul.f32 v19, v15  }
0x1ef: {  	v21 =	vld.idx.msk [tilespmem:v51+s2+$0x0], $0xffff  }
0x1f0: {  	v16 =	vadd.f32 v53, v16;
	v23 =	vsub.f32 v52, v26  }
0x1f1: {  	v54 =	vadd.s32 $0x5, v12  }
0x1f2: {  	v12 =	vadd.s32 $0x4, v12;
	v16 =	vadd.f32 v23, v16  }
0x1f3: {  	v55 =	vmul.f32 v20, v13  }
0x1f4: {  	v56 =	vmul.f32 v19, v25;
	v15 =	vmul.f32 v22, v15;
	v16 =	vadd.f32 v16, v21  }
0x1f5: {  	v13 =	vmul.f32 v19, v13;
	v14 =	vmul.f32 v22, v14  }
0x1f6: {  	v58 =	vld.idx.msk [tilespmem:v54+s2+$0x0], $0xffff;
	v57 =	vmul.f32 v20, v25;
	(erf) = vrcp.f32 v16  }
0x1f7: {  	v12 =	vld.idx.msk [tilespmem:v12+s2+$0x0], $0xffff;
	v59 =	vadd.f32 v56, v18;
	v15 =	vsub.f32 v15, v55  }
0x1f8: {  	v13 =	vsub.f32 v13, v14;
	v14 =	vadd.f32 v57, v17;
	_ =	sdelay $0x1  }
0x1f9: {  	v60 =	vmul.u32 $0x3, v11;
	v11 =	vadd.f32 v15, v59;
	v13 =	vadd.f32 v13, v14;
	_ =	sdelay $0x1  }
0x1fa: {  	v14 =	vadd.s32 $0x2, v60;
	v11 =	vadd.f32 v11, v12;
	v12 =	vadd.f32 v13, v58;
	_ =	sdelay $0x1  }
0x1fb: {  	v13 =	vadd.s32 $0x1, v60;
	v11 =	vsub.f32 $0.0e+00, v11;
	v12 =	vsub.f32 $0.0e+00, v12  }
0x1fc: {  	v15 =	vpop (erf)  }
0x1fd: {  	v61 =	vmul.f32 v15, v11;
	v15 =	vmul.f32 v15, v12  }
0x1fe: {  	v11 =	vld.idx.msk [tilespmem:v14+s16+$0x0], $0xffff  }
0x1ff: {  	v12 =	vmul.f32 v61, v61;
	v14 =	vmul.f32 v15, v15  }
0x200: {  	v13 =	vld.idx.msk [tilespmem:v13+s16+$0x0], $0xffff  }
0x201: {  	v14 =	vadd.f32 v14, v12  }
0x202: {  	s29 =	simm.s32 $0x200  }
0x203: {  	v12 =	vor.u32 s29, v4;
	v62 =	vmul.f32 v14, v11  }
0x204: {  	v11 =	vand.u32 v9, v12  }
0x205: {  	v12 =	vor.u32 s29, v10;
	v13 =	vadd.f32 v62, v13  }
0x206: {  	v17 =	vld.idx.msk [tilespmem:v60+s16+$0x0], $0xffff  }
0x207: {  	v13 =	vmul.f32 v13, v14;
	_ =	sdelay $0x1  }
0x208: {  	v14 =	vld.idx.msk [tilespmem:v11+s21+$0x0], $0xffff;
	v13 =	vadd.f32 $1.000000000e+00, v13  }
0x209: {  	v63 =	vld.idx.msk [tilespmem:v12+s21+$0x0], $0xffff  }
0x20a: {  	v13 =	vmul.f32 v13, v17;
	_ =	sdelay $0x1  }
0x20b: {  	v16 =	vmul.f32 v13, v61;
	v13 =	vmul.f32 v13, v15;
	_ =	sdelay $0x1  }
0x20c: {  	s14 =	simm.s32 $0x58B0;
	s1 =	simm.s32 $0x220;
	v14 =	vsub.f32 v16, v14;
	v13 =	vsub.f32 v13, v63  }
.LBB2_9:
0x20d: {  	s7 =	sadd.s32 $0x10, s7;
	s3 =	sadd.s32 $0x10, s3;
	s6 =	sadd.s32 $0x10, s6  }
0x20e: {  	p0 =	sne.s32 s1, $0x2E0;
	s17 =	smov.u32 s1;
	s1 =	sadd.s32 $0x20, s1;
	[tilespmem:v11+s28+$0x0] =	vst.idx.msk $0xffff, v14  }
0x20f: {  	[tilespmem:v12+s28+$0x0] =	vst.idx.msk $0xffff, v13  }
0x210: {  	v11 =	vld [tilespmem:s7+$0x0];
	_ =	sdelay $0x4  }
0x211: {  	v12 =	vmul.u32 $0x7, v11;
	v13 =	vmul.u32 $0x3, v11;
	_ =	sdelay $0x1  }
0x212: {  	v11 =	vadd.s32 $0x1, v12;
	v14 =	vadd.s32 $0x2, v12;
	v15 =	vadd.s32 $0x3, v12  }
0x213: {  	v16 =	vadd.s32 $0x4, v12;
	v17 =	vadd.s32 $0x5, v12;
	v18 =	vadd.s32 $0x6, v12  }
0x214: {  	v19 =	vadd.s32 $0x1, v13;
	v20 =	vadd.s32 $0x2, v13;
	v21 =	vld [tilespmem:s14+$0x0]  }
0x215: {  	v22 =	vld [tilespmem:s6+$0x0]  }
0x216: {  	v23 =	vld [tilespmem:s3+$0x0]  }
0x217: {  	v15 =	vld.idx.msk [tilespmem:v15+s2+$0x0], $0xffff  }
0x218: {  	v11 =	vld.idx.msk [tilespmem:v11+s2+$0x0], $0xffff  }
0x219: {  	v14 =	vld.idx.msk [tilespmem:v14+s2+$0x0], $0xffff;
	_ =	sdelay $0x3  }
0x21a: {  	v24 =	vmul.f32 v22, v15;
	v25 =	vmul.f32 v23, v15  }
0x21b: {  	v26 =	vmul.f32 v21, v11;
	v27 =	vmul.f32 v22, v11;
	v12 =	vld.idx.msk [tilespmem:v12+s2+$0x0], $0xffff  }
0x21c: {  	v28 =	vmul.f32 v21, v14;
	v29 =	vmul.f32 v23, v14  }
0x21d: {  	v25 =	vsub.f32 v25, v26  }
0x21e: {  	v24 =	vsub.f32 v28, v24;
	v26 =	vsub.f32 v27, v29  }
0x21f: {  	v25 =	vadd.f32 v25, v25  }
0x220: {  	v24 =	vadd.f32 v24, v24;
	v26 =	vadd.f32 v26, v26  }
0x221: {  	v27 =	vmul.f32 v25, v15;
	v28 =	vmul.f32 v25, v11;
	v18 =	vld.idx.msk [tilespmem:v18+s2+$0x0], $0xffff  }
0x222: {  	v29 =	vmul.f32 v26, v12;
	v30 =	vmul.f32 v24, v14  }
0x223: {  	v31 =	vmul.f32 v24, v12;
	v14 =	vmul.f32 v26, v14  }
0x224: {  	v15 =	vmul.f32 v24, v15;
	v21 =	vadd.f32 v29, v21;
	v24 =	vsub.f32 v28, v30  }
0x225: {  	v11 =	vmul.f32 v26, v11;
	v23 =	vadd.f32 v31, v23;
	v14 =	vsub.f32 v14, v27  }
0x226: {  	v12 =	vmul.f32 v25, v12;
	v21 =	vadd.f32 v24, v21  }
0x227: {  	v11 =	vsub.f32 v15, v11;
	v14 =	vadd.f32 v14, v23  }
0x228: {  	v15 =	vld.idx.msk [tilespmem:v17+s2+$0x0], $0xffff;
	v17 =	vadd.f32 v21, v18  }
0x229: {  	v16 =	vld.idx.msk [tilespmem:v16+s2+$0x0], $0xffff  }
0x22a: {  	(erf) = vrcp.f32 v17  }
0x22b: {  	v12 =	vadd.f32 v12, v22;
	_ =	sdelay $0x1  }
0x22c: {  	v11 =	vadd.f32 v11, v12;
	_ =	sdelay $0x1  }
0x22d: {  	v11 =	vadd.f32 v11, v15;
	v12 =	vadd.f32 v14, v16;
	_ =	sdelay $0x1  }
0x22e: {  	v11 =	vsub.f32 $0.0e+00, v11;
	v12 =	vsub.f32 $0.0e+00, v12;
	_ =	sdelay $0x1  }
0x22f: {  	v14 =	vld.idx.msk [tilespmem:v20+s16+$0x0], $0xffff;
	v15 =	vpop (erf)  }
0x230: {  	v16 =	vmul.f32 v15, v12;
	v15 =	vmul.f32 v15, v11  }
0x231: {  	v17 =	vld.idx.msk [tilespmem:v19+s16+$0x0], $0xffff  }
0x232: {  	v11 =	vmul.f32 v16, v16;
	v12 =	vmul.f32 v15, v15;
	_ =	sdelay $0x1  }
0x233: {  	v18 =	vadd.f32 v12, v11  }
0x234: {  	v11 =	vor.u32 s17, v4  }
0x235: {  	v11 =	vand.u32 v9, v11;
	v14 =	vmul.f32 v18, v14  }
0x236: {  	v12 =	vor.u32 s17, v10;
	v13 =	vld.idx.msk [tilespmem:v13+s16+$0x0], $0xffff  }
0x237: {  	v14 =	vadd.f32 v14, v17;
	_ =	sdelay $0x1  }
0x238: {  	v14 =	vmul.f32 v14, v18  }
0x239: {  	v17 =	vld.idx.msk [tilespmem:v11+s21+$0x0], $0xffff  }
0x23a: {  	v18 =	vld.idx.msk [tilespmem:v12+s21+$0x0], $0xffff;
	v14 =	vadd.f32 $1.000000000e+00, v14;
	_ =	sdelay $0x1  }
.Ltmp4:
0x23b: {  	v13 =	vmul.f32 v14, v13;
	(pc) =	sbr.rel @p0 .LBB2_9-.Ltmp4, $3  }
0x23c: {  	_ = 	snop  }
0x23d: {  	v14 =	vmul.f32 v13, v16;
	v13 =	vmul.f32 v13, v15;
	_ =	sdelay $0x1  }
0x23e: {  	s14 =	sadd.s32 $0x10, s14;
	v14 =	vsub.f32 v14, v17;
	v13 =	vsub.f32 v13, v18  }
0x23f: {  	_ =	sdelay $0x3  }
0x240: {  	[tilespmem:v11+s28+$0x0] =	vst.idx.msk $0xffff, v14  }
0x241: {  	[tilespmem:v12+s28+$0x0] =	vst.idx.msk $0xffff, v13  }
0x242: {  	v11 =	vld [tilespmem:$0x51A0]  }
0x243: {  	v12 =	vld [tilespmem:$0x51B0];
	_ =	sdelay $0x1  }
0x244: {  	v13 =	vld [tilespmem:$0x51C0];
	_ =	sdelay $0x1  }
0x245: {  	v11 =	vmul.u32 $0x3, v11  }
0x246: {  	v12 =	vmul.u32 $0x3, v12  }
0x247: {  	[tilespmem:$0x5620] =	vst v11  }
0x248: {  	v13 =	vmul.u32 $0x3, v13;
	v14 =	vadd.s32 $0x1, v11;
	v11 =	vadd.s32 $0x2, v11;
	[tilespmem:$0x5630] =	vst v12  }
0x249: {  	[tilespmem:$0x5720] =	vst v11;
	v11 =	vld [tilespmem:$0x51D0]  }
0x24a: {  	[tilespmem:$0x5640] =	vst v13  }
0x24b: {  	[tilespmem:$0x56A0] =	vst v14;
	v14 =	vadd.s32 $0x1, v12;
	v12 =	vadd.s32 $0x2, v12  }
0x24c: {  	[tilespmem:$0x5730] =	vst v12;
	v12 =	vld [tilespmem:$0x51E0]  }
0x24d: {  	[tilespmem:$0x56B0] =	vst v14;
	v14 =	vadd.s32 $0x1, v13  }
0x24e: {  	v13 =	vadd.s32 $0x2, v13;
	[tilespmem:$0x56C0] =	vst v14;
	v11 =	vmul.u32 $0x3, v11  }
0x24f: {  	[tilespmem:$0x5740] =	vst v13;
	v13 =	vld [tilespmem:$0x51F0]  }
0x250: {  	[tilespmem:$0x5650] =	vst v11;
	v14 =	vadd.s32 $0x1, v11  }
0x251: {  	v12 =	vmul.u32 $0x3, v12;
	v11 =	vadd.s32 $0x2, v11;
	[tilespmem:$0x56D0] =	vst v14  }
0x252: {  	[tilespmem:$0x5750] =	vst v11;
	v11 =	vld [tilespmem:$0x5200]  }
0x253: {  	[tilespmem:$0x5660] =	vst v12;
	v14 =	vadd.s32 $0x1, v12  }
0x254: {  	v13 =	vmul.u32 $0x3, v13;
	v12 =	vadd.s32 $0x2, v12;
	[tilespmem:$0x56E0] =	vst v14  }
0x255: {  	[tilespmem:$0x5760] =	vst v12;
	v12 =	vld [tilespmem:$0x5210]  }
0x256: {  	[tilespmem:$0x5670] =	vst v13;
	v14 =	vadd.s32 $0x1, v13  }
0x257: {  	v13 =	vadd.s32 $0x2, v13;
	[tilespmem:$0x56F0] =	vst v14;
	v11 =	vmul.u32 $0x3, v11  }
0x258: {  	[tilespmem:$0x5770] =	vst v13  }
0x259: {  	[tilespmem:$0x5680] =	vst v11;
	v13 =	vadd.s32 $0x1, v11  }
0x25a: {  	v12 =	vmul.u32 $0x3, v12;
	v11 =	vadd.s32 $0x2, v11;
	[tilespmem:$0x5700] =	vst v13  }
0x25b: {  	[tilespmem:$0x5780] =	vst v11  }
0x25c: {  	[tilespmem:$0x5690] =	vst v12;
	v11 =	vadd.s32 $0x1, v12  }
0x25d: {  	[tilespmem:$0x5710] =	vst v11;
	v11 =	vadd.s32 $0x2, v12  }
0x25e: {  	s3 =	simm.s32 $0x57A0;
	[tilespmem:$0x5790] =	vst v11  }
0x25f: {  	[tilespmem:s3], [sflag:$0x1] =	stream.indirect.gather [hbm4b:s8+s22], $0x1, s23, s22, $0xb8;
	[tilespmem:$0x5D20] =	vst v63  }
0x260: {  	_ =	swait.ge [sflag:s24], $0x80  }
0x261: {  	[sflag:s24] =	ssyncset.done $0x0  }
0x262: {  	s6 =	simm.s32 $0x5820;
	[sflag:s24] =	ssyncadd.s32 $0xFFFFFF80  }
0x263: {  	[tilespmem:s6], [sflag:$0x1] =	stream.indirect.gather [hbm4b:s8+s22], $0x1, s25, s22, $0xb8;
	[tilespmem:$0x5D20] =	vst v63  }
0x264: {  	_ =	swait.ge [sflag:s24], $0x80  }
0x265: {  	[sflag:s24] =	ssyncset.done $0x0  }
0x266: {  	s1 =	simm.s32 $0x58A0;
	[sflag:s24] =	ssyncadd.s32 $0xFFFFFF80  }
0x267: {  	[tilespmem:s1], [sflag:$0x1] =	stream.indirect.gather [hbm4b:s8+s22], $0x1, s26, s22, $0xb8;
	[tilespmem:$0x5D20] =	vst v63  }
0x268: {  	_ =	swait.ge [sflag:s24], $0x80  }
0x269: {  	[sflag:s24] =	ssyncset.done $0x0  }
0x26a: {  	s7 =	simm.s32 $0x4FA0;
	[sflag:s24] =	ssyncadd.s32 $0xFFFFFF80  }
0x26b: {  	v11 =	vld [tilespmem:s7+$0x0];
	_ =	sdelay $0x4  }
0x26c: {  	v12 =	vmul.u32 $0x7, v11;
	_ =	sdelay $0x1  }
0x26d: {  	v13 =	vadd.s32 $0x3, v12  }
0x26e: {  	v14 =	vadd.s32 $0x1, v12  }
0x26f: {  	v16 =	vld [tilespmem:s1+$0x0];
	v15 =	vadd.s32 $0x2, v12  }
0x270: {  	v17 =	vld [tilespmem:s6+$0x0]  }
0x271: {  	v18 =	vld [tilespmem:s3+$0x0]  }
0x272: {  	v13 =	vld.idx.msk [tilespmem:v13+s2+$0x0], $0xffff  }
0x273: {  	v14 =	vld.idx.msk [tilespmem:v14+s2+$0x0], $0xffff  }
0x274: {  	v15 =	vld.idx.msk [tilespmem:v15+s2+$0x0], $0xffff;
	_ =	sdelay $0x2  }
0x275: {  	v19 =	vmul.f32 v17, v13;
	v20 =	vmul.f32 v18, v13  }
0x276: {  	v21 =	vmul.f32 v16, v14;
	v22 =	vmul.f32 v17, v14  }
0x277: {  	v23 =	vmul.f32 v16, v15;
	v24 =	vmul.f32 v18, v15  }
0x278: {  	v25 =	vld.idx.msk [tilespmem:v12+s2+$0x0], $0xffff;
	v20 =	vsub.f32 v20, v21  }
0x279: {  	v51 =	vadd.s32 $0x6, v12;
	v19 =	vsub.f32 v23, v19;
	v22 =	vsub.f32 v22, v24  }
0x27a: {  	v20 =	vadd.f32 v20, v20  }
0x27b: {  	v19 =	vadd.f32 v19, v19;
	v22 =	vadd.f32 v22, v22  }
0x27c: {  	v52 =	vmul.f32 v20, v14  }
0x27d: {  	v53 =	vmul.f32 v22, v25;
	v26 =	vmul.f32 v19, v15  }
0x27e: {  	v21 =	vld.idx.msk [tilespmem:v51+s2+$0x0], $0xffff  }
0x27f: {  	v16 =	vadd.f32 v53, v16;
	v23 =	vsub.f32 v52, v26  }
0x280: {  	v54 =	vadd.s32 $0x5, v12  }
0x281: {  	v12 =	vadd.s32 $0x4, v12;
	v16 =	vadd.f32 v23, v16  }
0x282: {  	v55 =	vmul.f32 v20, v13  }
0x283: {  	v56 =	vmul.f32 v19, v25;
	v15 =	vmul.f32 v22, v15;
	v16 =	vadd.f32 v16, v21  }
0x284: {  	v13 =	vmul.f32 v19, v13;
	v14 =	vmul.f32 v22, v14  }
0x285: {  	v58 =	vld.idx.msk [tilespmem:v54+s2+$0x0], $0xffff;
	v57 =	vmul.f32 v20, v25;
	(erf) = vrcp.f32 v16  }
0x286: {  	v12 =	vld.idx.msk [tilespmem:v12+s2+$0x0], $0xffff;
	v59 =	vadd.f32 v56, v18;
	v15 =	vsub.f32 v15, v55  }
0x287: {  	v13 =	vsub.f32 v13, v14;
	v14 =	vadd.f32 v57, v17;
	_ =	sdelay $0x1  }
0x288: {  	v60 =	vmul.u32 $0x3, v11;
	v11 =	vadd.f32 v15, v59;
	v13 =	vadd.f32 v13, v14;
	_ =	sdelay $0x1  }
0x289: {  	v14 =	vadd.s32 $0x2, v60;
	v11 =	vadd.f32 v11, v12;
	v12 =	vadd.f32 v13, v58;
	_ =	sdelay $0x1  }
0x28a: {  	v13 =	vadd.s32 $0x1, v60;
	v11 =	vsub.f32 $0.0e+00, v11;
	v12 =	vsub.f32 $0.0e+00, v12  }
0x28b: {  	v15 =	vpop (erf)  }
0x28c: {  	v61 =	vmul.f32 v15, v11;
	v15 =	vmul.f32 v15, v12  }
0x28d: {  	v11 =	vld.idx.msk [tilespmem:v14+s16+$0x0], $0xffff  }
0x28e: {  	v12 =	vmul.f32 v61, v61;
	v14 =	vmul.f32 v15, v15  }
0x28f: {  	v13 =	vld.idx.msk [tilespmem:v13+s16+$0x0], $0xffff  }
0x290: {  	v14 =	vadd.f32 v14, v12  }
0x291: {  	s29 =	simm.s32 $0x300  }
0x292: {  	v12 =	vor.u32 s29, v4;
	v62 =	vmul.f32 v14, v11  }
0x293: {  	v11 =	vand.u32 v9, v12  }
0x294: {  	v12 =	vor.u32 s29, v10;
	v13 =	vadd.f32 v62, v13  }
0x295: {  	v17 =	vld.idx.msk [tilespmem:v60+s16+$0x0], $0xffff  }
0x296: {  	v13 =	vmul.f32 v13, v14;
	_ =	sdelay $0x1  }
0x297: {  	v14 =	vld.idx.msk [tilespmem:v11+s21+$0x0], $0xffff;
	v13 =	vadd.f32 $1.000000000e+00, v13  }
0x298: {  	v63 =	vld.idx.msk [tilespmem:v12+s21+$0x0], $0xffff  }
0x299: {  	v13 =	vmul.f32 v13, v17;
	_ =	sdelay $0x1  }
0x29a: {  	v16 =	vmul.f32 v13, v61;
	v13 =	vmul.f32 v13, v15;
	_ =	sdelay $0x1  }
0x29b: {  	s14 =	simm.s32 $0x58B0;
	s1 =	simm.s32 $0x320;
	v14 =	vsub.f32 v16, v14;
	v13 =	vsub.f32 v13, v63  }
.LBB2_11:
0x29c: {  	s7 =	sadd.s32 $0x10, s7;
	s3 =	sadd.s32 $0x10, s3;
	s6 =	sadd.s32 $0x10, s6  }
0x29d: {  	p0 =	sne.s32 s1, $0x3E0;
	s17 =	smov.u32 s1;
	s1 =	sadd.s32 $0x20, s1;
	[tilespmem:v11+s28+$0x0] =	vst.idx.msk $0xffff, v14  }
0x29e: {  	[tilespmem:v12+s28+$0x0] =	vst.idx.msk $0xffff, v13  }
0x29f: {  	v11 =	vld [tilespmem:s7+$0x0];
	_ =	sdelay $0x4  }
0x2a0: {  	v12 =	vmul.u32 $0x7, v11;
	v13 =	vmul.u32 $0x3, v11;
	_ =	sdelay $0x1  }
0x2a1: {  	v11 =	vadd.s32 $0x1, v12;
	v14 =	vadd.s32 $0x2, v12;
	v15 =	vadd.s32 $0x3, v12  }
0x2a2: {  	v16 =	vadd.s32 $0x4, v12;
	v17 =	vadd.s32 $0x5, v12;
	v18 =	vadd.s32 $0x6, v12  }
0x2a3: {  	v19 =	vadd.s32 $0x1, v13;
	v20 =	vadd.s32 $0x2, v13;
	v21 =	vld [tilespmem:s14+$0x0]  }
0x2a4: {  	v22 =	vld [tilespmem:s6+$0x0]  }
0x2a5: {  	v23 =	vld [tilespmem:s3+$0x0]  }
0x2a6: {  	v15 =	vld.idx.msk [tilespmem:v15+s2+$0x0], $0xffff  }
0x2a7: {  	v11 =	vld.idx.msk [tilespmem:v11+s2+$0x0], $0xffff  }
0x2a8: {  	v14 =	vld.idx.msk [tilespmem:v14+s2+$0x0], $0xffff;
	_ =	sdelay $0x3  }
0x2a9: {  	v24 =	vmul.f32 v22, v15;
	v25 =	vmul.f32 v23, v15  }
0x2aa: {  	v26 =	vmul.f32 v21, v11;
	v27 =	vmul.f32 v22, v11;
	v12 =	vld.idx.msk [tilespmem:v12+s2+$0x0], $0xffff  }
0x2ab: {  	v28 =	vmul.f32 v21, v14;
	v29 =	vmul.f32 v23, v14  }
0x2ac: {  	v25 =	vsub.f32 v25, v26  }
0x2ad: {  	v24 =	vsub.f32 v28, v24;
	v26 =	vsub.f32 v27, v29  }
0x2ae: {  	v25 =	vadd.f32 v25, v25  }
0x2af: {  	v24 =	vadd.f32 v24, v24;
	v26 =	vadd.f32 v26, v26  }
0x2b0: {  	v27 =	vmul.f32 v25, v15;
	v28 =	vmul.f32 v25, v11;
	v18 =	vld.idx.msk [tilespmem:v18+s2+$0x0], $0xffff  }
0x2b1: {  	v29 =	vmul.f32 v26, v12;
	v30 =	vmul.f32 v24, v14  }
0x2b2: {  	v31 =	vmul.f32 v24, v12;
	v14 =	vmul.f32 v26, v14  }
0x2b3: {  	v15 =	vmul.f32 v24, v15;
	v21 =	vadd.f32 v29, v21;
	v24 =	vsub.f32 v28, v30  }
0x2b4: {  	v11 =	vmul.f32 v26, v11;
	v23 =	vadd.f32 v31, v23;
	v14 =	vsub.f32 v14, v27  }
0x2b5: {  	v12 =	vmul.f32 v25, v12;
	v21 =	vadd.f32 v24, v21  }
0x2b6: {  	v11 =	vsub.f32 v15, v11;
	v14 =	vadd.f32 v14, v23  }
0x2b7: {  	v15 =	vld.idx.msk [tilespmem:v17+s2+$0x0], $0xffff;
	v17 =	vadd.f32 v21, v18  }
0x2b8: {  	v16 =	vld.idx.msk [tilespmem:v16+s2+$0x0], $0xffff  }
0x2b9: {  	(erf) = vrcp.f32 v17  }
0x2ba: {  	v12 =	vadd.f32 v12, v22;
	_ =	sdelay $0x1  }
0x2bb: {  	v11 =	vadd.f32 v11, v12;
	_ =	sdelay $0x1  }
0x2bc: {  	v11 =	vadd.f32 v11, v15;
	v12 =	vadd.f32 v14, v16;
	_ =	sdelay $0x1  }
0x2bd: {  	v11 =	vsub.f32 $0.0e+00, v11;
	v12 =	vsub.f32 $0.0e+00, v12;
	_ =	sdelay $0x1  }
0x2be: {  	v14 =	vld.idx.msk [tilespmem:v20+s16+$0x0], $0xffff;
	v15 =	vpop (erf)  }
0x2bf: {  	v16 =	vmul.f32 v15, v12;
	v15 =	vmul.f32 v15, v11  }
0x2c0: {  	v17 =	vld.idx.msk [tilespmem:v19+s16+$0x0], $0xffff  }
0x2c1: {  	v11 =	vmul.f32 v16, v16;
	v12 =	vmul.f32 v15, v15;
	_ =	sdelay $0x1  }
0x2c2: {  	v18 =	vadd.f32 v12, v11  }
0x2c3: {  	v11 =	vor.u32 s17, v4  }
0x2c4: {  	v11 =	vand.u32 v9, v11;
	v14 =	vmul.f32 v18, v14  }
0x2c5: {  	v12 =	vor.u32 s17, v10;
	v13 =	vld.idx.msk [tilespmem:v13+s16+$0x0], $0xffff  }
0x2c6: {  	v14 =	vadd.f32 v14, v17;
	_ =	sdelay $0x1  }
0x2c7: {  	v14 =	vmul.f32 v14, v18  }
0x2c8: {  	v17 =	vld.idx.msk [tilespmem:v11+s21+$0x0], $0xffff  }
0x2c9: {  	v18 =	vld.idx.msk [tilespmem:v12+s21+$0x0], $0xffff;
	v14 =	vadd.f32 $1.000000000e+00, v14;
	_ =	sdelay $0x1  }
.Ltmp5:
0x2ca: {  	v13 =	vmul.f32 v14, v13;
	(pc) =	sbr.rel @p0 .LBB2_11-.Ltmp5, $3  }
0x2cb: {  	_ = 	snop  }
0x2cc: {  	v14 =	vmul.f32 v13, v16;
	v13 =	vmul.f32 v13, v15;
	_ =	sdelay $0x1  }
0x2cd: {  	s14 =	sadd.s32 $0x10, s14;
	v14 =	vsub.f32 v14, v17;
	v13 =	vsub.f32 v13, v18  }
0x2ce: {  	_ =	sdelay $0x2  }
0x2cf: {  	s31 =	sadd.s32 $0x1, s31  }
0x2d0: {  	[tilespmem:v11+s28+$0x0] =	vst.idx.msk $0xffff, v14;
	p0 =	sne.s32 s31, $0x3E  }
.Ltmp6:
0x2d1: {  	s0 =	sadd.s32 s9, s0;
	[tilespmem:v12+s28+$0x0] =	vst.idx.msk $0xffff, v13;
	(pc) =	sbr.rel @p0 .LBB2_4-.Ltmp6, $4  }
0x2d2: {  	[hbm4b:s0+s2] =	stream.linear.scatter [tilespmem:s28], [sflag:$0x2], $0x400, $0x38;
	[tilespmem:$0x5D20] =	vst v63  }
0x2d3: {  	_ =	swait.ge [sflag:s15], $0x400  }
0x2d4: {  	[sflag:s15] =	ssyncset.done $0x0  }
0x2d5: {  	[sflag:s15] =	ssyncadd.s32 $0xFFFFFC00  }
0x2d6: {  	s1 =	rddreg [dreg:$0x6]  }
0x2d7: {  	s0 =	rddreg [dreg:$0x5];
	s1 =	sadd.s32 $0x1, s1  }
0x2d8: {  	p0 =	sne.s32 s1, s0  }
.Ltmp7:
0x2d9: {  	_ = 	snop;
	(pc) =	sbr.rel @p0 .LBB2_1-.Ltmp7, $1  }
0x2da: {  	_ =	sdelay $0x3  }
0x2db: {  	_ =	sfence.sel $0x180000  }
0x2dc: {  	[bflag:$0x0] =	sbarrier.arrive $0xFFFF  }
0x2dd: {  	_ =	strace $0x90000047  }
0x2de: {  	s0 =	stileid.u32;
	[bflag:$0x2] =	sbarrier.arrive $0xFFFF  }
0x2df: {  	p0 =	sne.s32 s0, $0x0;
	s0 =	rddreg [dreg:$0x2]  }
0x2e0: {  	s0 =	sadd.s32 @!p0 $0x100000, s0  }
0x2e1: {  	[sflag:s0] =	ssyncadd.tile.s32 @!p0 $0x1;
	_ =	shalt  }
.Lfunc_end2:
_tile_overlayer_lowered:
.L_overlay_start_2:
0x2e2: {  	(tag) =	ssettag $0x2  }
0x2e3: {  	s0 =	rddreg [dreg:$0x0];
	s2 =	stileid.u32  }
0x2e4: {  	s1 =	rddreg [dreg:$0x1];
	p0 =	sne.s32 s2, $0x0  }
0x2e5: {  	s3 =	rddreg [dreg:$0x2];
	[bflag:$0x3] =	sbarrier.arrive $0xFFFF;
	s2 =	simm.s32 @!p0 $0x1C02  }
0x2e6: {  	[timem:s3], [sflag:s2] =	dma.local @!p0 [hbm:s0], s1  }
0x2e7: {  	s0 =	simm.s32 @!p0 $0x2  }
0x2e8: {  	_ =	swait.ge @!p0 [sflag:s0], s1  }
0x2e9: {  	s1 =	ssub.s32 @!p0 $0x0, s1;
	[sflag:s0] =	ssyncset.done @!p0 $0x0  }
0x2ea: {  	[sflag:s0] =	ssyncadd.s32 @!p0 s1  }
0x2eb: {  	[bflag:$0x3] =	sbarrier.arrive $0xFFFF  }
0x2ec: {  	_ =	shalt  }

</sc_bundles>
